<compile_context>
chip_gen: v7x
topology: tpu7x:2x2x1
jax: 0.10.2.dev20260603
libtpu: 0.0.44.dev20260713+nightly
codegen_flags: <defaults>
</compile_context>

<pallas_src>
import functools

import jax
import jax.numpy as jnp
from jax import lax
from jax.experimental import pallas as pl
from jax.experimental.pallas import tpu as pltpu
from jax.experimental.pallas import tpu_sc as plsc

N_ATOMS = 6400000
N_MOL = 100000
NC = 2
NS = 16
NW = NC * NS
M_PER = 3128
M_LAST = N_MOL - (NW - 1) * M_PER
M_PAD = 3136
M_ROW = M_PAD + 1
ACC_W = 16 * M_ROW
L = 16
UNROLL = 8
SEARCH_STEPS = (1 << 19, 1 << 15, 1 << 11)
SEARCH_SLACK = 1 << 11


@functools.lru_cache(maxsize=None)
def _build(idx_words: int):
    mesh = plsc.VectorSubcoreMesh(core_axis_name="c", subcore_axis_name="s")
    C = 16384 if idx_words == 1 else 8192
    LAST_BASE = (N_ATOMS // C) * C
    C_TAIL = N_ATOMS - LAST_BASE
    idx_shape = (C,) if idx_words == 1 else (C, idx_words)
    probe_shape = (L,) if idx_words == 1 else (L, idx_words)

    @functools.partial(
        pl.kernel,
        mesh=mesh,
        out_type=jax.ShapeDtypeStruct((N_MOL,), jnp.float32),
        compiler_params=pltpu.CompilerParams(needs_layout_passes=False),
        scratch_types=[
            pltpu.VMEM((ACC_W,), jnp.float32),
            pltpu.VMEM((M_PAD,), jnp.float32),
            pltpu.VMEM((C,), jnp.float32),
            pltpu.VMEM((C,), jnp.float32),
            pltpu.VMEM(idx_shape, jnp.int32),
            pltpu.VMEM(idx_shape, jnp.int32),
            pltpu.VMEM(probe_shape, jnp.int32),
            pltpu.VMEM(probe_shape, jnp.int32),
            pltpu.SemaphoreType.DMA,
            pltpu.SemaphoreType.DMA,
            pltpu.SemaphoreType.DMA,
            pltpu.SemaphoreType.DMA,
        ],
    )
    def seg_sum(vals_hbm, idx_hbm, out_hbm,
                accum, obuf, vb0, vb1, ib0, ib1, pb0, pb1,
                sem0, sem1, psem0, psem1):
        c = lax.axis_index("c")
        s = lax.axis_index("s")
        wid = c * NS + s
        lane = lax.iota(jnp.int32, L)
        vbufs = (vb0, vb1)
        ibufs = (ib0, ib1)
        pbufs = (pb0, pb1)
        sems = (sem0, sem1)
        psems = (psem0, psem1)
        zi = jnp.zeros((L,), jnp.int32)

        m0 = wid * M_PER
        m_eff = jnp.where(wid == NW - 1, M_LAST, M_PER)

        def issue_at(base, b):
            pltpu.async_copy(vals_hbm.at[pl.ds(base, C)], vbufs[b], sems[b])
            if idx_words == 1:
                pltpu.async_copy(idx_hbm.at[pl.ds(base, C)], ibufs[b], sems[b])
            else:
                pltpu.async_copy(idx_hbm.at[pl.ds(base, C), :], ibufs[b], sems[b])

        def drain(b):
            pltpu.make_async_copy(vals_hbm.at[pl.ds(0, C)], vbufs[b], sems[b]).wait()
            if idx_words == 1:
                pltpu.make_async_copy(idx_hbm.at[pl.ds(0, C)], ibufs[b], sems[b]).wait()
            else:
                pltpu.make_async_copy(idx_hbm.at[pl.ds(0, C), :], ibufs[b], sems[b]).wait()

        a0g = (m0 * (N_ATOMS // N_MOL)) // C * C
        issue_at(a0g, 0)

        targets = (m0, m0 + m_eff)
        los = [zi, zi]

        def probe_issue(step):
            koff = (lane + 1) * step - 1
            qs, handles = [], []
            for i in range(2):
                q = los[i] + koff
                qc = jnp.minimum(q, N_ATOMS - 1)
                handles.append(pltpu.async_copy(idx_hbm.at[qc], pbufs[i], psems[i]))
                qs.append(q)
            return qs, handles

        qs, handles = probe_issue(SEARCH_STEPS[0])

        zf = jnp.zeros((L,), jnp.float32)

        @plsc.parallel_loop(0, ACC_W // L, unroll=8)
        def _(i):
            accum[pl.ds(i * L, L)] = zf

        for r, step in enumerate(SEARCH_STEPS):
            for i in range(2):
                handles[i].wait()
                if idx_words == 1:
                    v = pbufs[i][...]
                else:
                    v = plsc.load_gather(pbufs[i], [lane, zi])
                m = (v < targets[i]) & (qs[i] < N_ATOMS)
                los[i] = los[i] + plsc.all_reduce_population_count(m) * step
            if r + 1 < len(SEARCH_STEPS):
                qs, handles = probe_issue(SEARCH_STEPS[r + 1])

        def to_scalar(vec):
            return jnp.sum(jnp.where(lane == 0, vec, 0))

        start = to_scalar(los[0])
        end = to_scalar(los[1]) + SEARCH_SLACK

        a0 = (start // C) * C
        e_main = jnp.minimum(end, LAST_BASE)
        n_chunks = jnp.maximum(lax.div(e_main - a0 + (C - 1), C), 0)

        laneoff = lane * M_ROW

        def vec_body(vb, ib, j):
            o = j * L
            if idx_words == 1:
                idx = ib[pl.ds(o, L)]
            else:
                idx = plsc.load_gather(ib, [o + lane, zi])
            val = vb[pl.ds(o, L)]
            rel = idx - m0
            ok = (rel >= 0) & (rel < m_eff)
            rel = jnp.where(ok, rel, M_PAD)
            plsc.addupdate_scatter(accum, [rel + laneoff], val)

        def compute(b):
            vb, ib = vbufs[b], ibufs[b]

            @plsc.parallel_loop(0, C // L, unroll=UNROLL)
            def _(j):
                vec_body(vb, ib, j)

        drain(0)

        @pl.when((a0 != a0g) & (n_chunks > 0))
        def _():
            issue_at(a0, 0)
            drain(0)

        @pl.when(n_chunks > 1)
        def _():
            issue_at(a0 + C, 1)

        @pl.when(n_chunks > 0)
        def _():
            compute(0)

        def outer(g, carry):
            for off, b in ((1, 1), (2, 0)):
                k = g * 2 + off

                @pl.when(k < n_chunks)
                def _():
                    drain(b)

                    @pl.when(k + 1 < n_chunks)
                    def _():
                        issue_at(a0 + (k + 1) * C, 1 - b)

                    compute(b)
            return carry

        lax.fori_loop(0, lax.div(n_chunks, 2), outer, 0)

        @pl.when(end > LAST_BASE)
        def _():
            pltpu.sync_copy(vals_hbm.at[pl.ds(LAST_BASE, C_TAIL)],
                            vb0.at[pl.ds(0, C_TAIL)])
            if idx_words == 1:
                pltpu.sync_copy(idx_hbm.at[pl.ds(LAST_BASE, C_TAIL)],
                                ib0.at[pl.ds(0, C_TAIL)])
            else:
                pltpu.sync_copy(idx_hbm.at[pl.ds(LAST_BASE, C_TAIL), :],
                                ib0.at[pl.ds(0, C_TAIL), :])

            @plsc.parallel_loop(0, C_TAIL // L, unroll=UNROLL)
            def _(j):
                vec_body(vb0, ib0, j)

        @plsc.parallel_loop(0, M_PAD // L, unroll=2)
        def _(g):
            base = g * L + lane
            vs = [plsc.load_gather(accum, [base + l * M_ROW]) for l in range(16)]
            while len(vs) > 1:
                vs = [a + b for a, b in zip(vs[::2], vs[1::2])]
            obuf[pl.ds(g * L, L)] = vs[0]

        @pl.when(wid < NW - 1)
        def _():
            pltpu.sync_copy(obuf.at[pl.ds(0, M_PER)],
                            out_hbm.at[pl.ds(m0, M_PER)])

        @pl.when(wid == NW - 1)
        def _():
            pltpu.sync_copy(obuf.at[pl.ds(0, M_LAST)],
                            out_hbm.at[pl.ds((NW - 1) * M_PER, M_LAST)])

    return seg_sum


def kernel(per_atom_property, index):
    if index.dtype == jnp.int64:
        idx_arr = lax.bitcast_convert_type(index, jnp.int32)
        idx_words = 2
    else:
        idx_arr = index.astype(jnp.int32)
        idx_words = 1
    return _build(idx_words)(per_atom_property, idx_arr)

# --- scband reference (transcript-rebuilt; emitter-appended) ---
"""Pipeline reference for scband-from-atom-to-molecule-reduction-24361054503275 (READ-ONLY COPY).

The authoritative reference and input builder live on the scoring server;
editing this copy changes nothing except your own understanding.
"""

import jax, jax.numpy as jnp
import numpy as np

N_ATOMS = 6400000
N_MOLECULES = 100000


def setup_inputs(seed: int = 0) -> dict:
    key = jax.random.key(seed)
    k1, k2 = jax.random.split(key)
    per_atom_property = jax.random.normal(k1, (N_ATOMS,), dtype=jnp.float32)
    index = jnp.sort(jax.random.randint(k2, (N_ATOMS,), 0, N_MOLECULES, dtype=jnp.int32)).astype(jnp.int64)
    return {"per_atom_property": per_atom_property, "index": index}


def reference(per_atom_property, index):
    # Faithful translation of FromAtomToMoleculeReduction.forward with reduction_mode='sum':
    #   indices = index.to(int64)
    #   out = zeros(len(indices.unique())).scatter_reduce(0, indices, per_atom_property, reduce='sum')
    indices = index.astype(jnp.int64)
    num_molecules = N_MOLECULES
    property_per_molecule = jnp.zeros((num_molecules,), dtype=per_atom_property.dtype).at[indices].add(per_atom_property)
    return property_per_molecule

if __name__ == "__main__":
    import jax
    _d = setup_inputs()
    print(jax.jit(kernel)(*tuple(_d.values())))

</pallas_src>

<mosaic_0001>
#map = affine_map<(d0, d1) -> (0)>
module attributes {stable_mosaic.version = 14 : i64} {
  func.func @seg_sum(%arg0: i32, %arg1: i32, %arg2: memref<6400000xf32, #tpu.memory_space<hbm>>, %arg3: memref<6400000xi32, #tpu.memory_space<hbm>>, %arg4: memref<100000xf32, #tpu.memory_space<hbm>>, %arg5: memref<50192xf32, #tpu.memory_space<vmem>>, %arg6: memref<3136xf32, #tpu.memory_space<vmem>>, %arg7: memref<16384xf32, #tpu.memory_space<vmem>>, %arg8: memref<16384xf32, #tpu.memory_space<vmem>>, %arg9: memref<16384xi32, #tpu.memory_space<vmem>>, %arg10: memref<16384xi32, #tpu.memory_space<vmem>>, %arg11: memref<16xi32, #tpu.memory_space<vmem>>, %arg12: memref<16xi32, #tpu.memory_space<vmem>>, %arg13: memref<!tpu.dma_semaphore, #tpu.memory_space<semaphore_mem>>, %arg14: memref<!tpu.dma_semaphore, #tpu.memory_space<semaphore_mem>>, %arg15: memref<!tpu.dma_semaphore, #tpu.memory_space<semaphore_mem>>, %arg16: memref<!tpu.dma_semaphore, #tpu.memory_space<semaphore_mem>>) attributes {dimension_semantics = [#tpu.dimension_semantics<core_parallel>, #tpu.dimension_semantics<subcore_parallel>], iteration_bounds = array<i64: 2, 16>, scalar_prefetch = 0 : i64, scratch_operands = 12 : i64, tpu.core_type = #tpu.core_type<sc_vector_subcore>, window_params = [{transform_indices = #map}, {transform_indices = #map}, {transform_indices = #map}]} {
    %mul3A = arith.constant 16 : i32
    %mul3A_0 = arith.muli %arg0, %mul3A : i32
    %add3A = arith.addi %mul3A_0, %arg1 : i32
    %iota3A = tpu.iota {dimensions = array<i32: 0>} : vector<16xi32>
    %broadcast_in_dim3A = arith.constant 0 : i32
    %broadcast_in_dim3A_1 = vector.broadcast %broadcast_in_dim3A : i32 to vector<16xi32>
    %mul3A_2 = arith.constant 3128 : i32
    %mul3A_3 = arith.muli %add3A, %mul3A_2 : i32
    %eq3A = arith.constant 31 : i32
    %eq3A_4 = arith.cmpi eq, %add3A, %eq3A : i32
    %jit3A = arith.constant 3032 : i32
    %jit3A_5 = arith.constant 3128 : i32
    %select_n3A = arith.select %eq3A_4, %jit3A, %jit3A_5 : i32
    %mul3A_6 = arith.constant 64 : i32
    %mul3A_7 = arith.muli %mul3A_3, %mul3A_6 : i32
    %jit3A_8 = arith.constant 16384 : i32
    %div3A = arith.divsi %mul3A_7, %jit3A_8 : i32
    %sign3A = arith.constant 0 : i32
    %sign3A_9 = arith.cmpi sgt, %mul3A_7, %sign3A : i32
    %sign3A_10 = arith.extui %sign3A_9 : i1 to i32
    %sign3A_11 = arith.constant 0 : i32
    %sign3A_12 = arith.cmpi slt, %mul3A_7, %sign3A_11 : i32
    %sign3A_13 = arith.extui %sign3A_12 : i1 to i32
    %sign3A_14 = arith.subi %sign3A_10, %sign3A_13 : i32
    %sign3A_15 = arith.constant 0 : i32
    %sign3A_16 = arith.cmpi sgt, %jit3A_8, %sign3A_15 : i32
    %sign3A_17 = arith.extui %sign3A_16 : i1 to i32
    %sign3A_18 = arith.constant 0 : i32
    %sign3A_19 = arith.cmpi slt, %jit3A_8, %sign3A_18 : i32
    %sign3A_20 = arith.extui %sign3A_19 : i1 to i32
    %sign3A_21 = arith.subi %sign3A_17, %sign3A_20 : i32
    %ne3A = arith.cmpi ne, %sign3A_14, %sign3A_21 : i32
    %rem3A = arith.remsi %mul3A_7, %jit3A_8 : i32
    %ne3A_22 = arith.constant 0 : i32
    %ne3A_23 = arith.cmpi ne, %rem3A, %ne3A_22 : i32
    %and3A = arith.andi %ne3A, %ne3A_23 : i1
    %sub3A = arith.constant 1 : i32
    %sub3A_24 = arith.subi %div3A, %sub3A : i32
    %select_n3A_25 = arith.select %and3A, %sub3A_24, %div3A : i32
    %mul3A_26 = arith.constant 16384 : i32
    %mul3A_27 = arith.muli %select_n3A_25, %mul3A_26 : i32
    %dma_start3A = tpu.memref_slice %arg2[%mul3A_27] : memref<6400000xf32, #tpu.memory_space<hbm>> -> memref<16384xf32, #tpu.memory_space<hbm>>
    %dma_start3A_28 = tpu.memref_slice %arg2[%mul3A_27] : memref<6400000xf32, #tpu.memory_space<hbm>> -> memref<16384xf32, #tpu.memory_space<hbm>>
    tpu.enqueue_dma source(%dma_start3A_28 : memref<16384xf32, #tpu.memory_space<hbm>>) target(%arg7 : memref<16384xf32, #tpu.memory_space<vmem>>) target_semaphore(%arg13 : memref<!tpu.dma_semaphore, #tpu.memory_space<semaphore_mem>>)
    %dma_start3A_29 = tpu.memref_slice %arg3[%mul3A_27] : memref<6400000xi32, #tpu.memory_space<hbm>> -> memref<16384xi32, #tpu.memory_space<hbm>>
    %dma_start3A_30 = tpu.memref_slice %arg3[%mul3A_27] : memref<6400000xi32, #tpu.memory_space<hbm>> -> memref<16384xi32, #tpu.memory_space<hbm>>
    tpu.enqueue_dma source(%dma_start3A_30 : memref<16384xi32, #tpu.memory_space<hbm>>) target(%arg9 : memref<16384xi32, #tpu.memory_space<vmem>>) target_semaphore(%arg13 : memref<!tpu.dma_semaphore, #tpu.memory_space<semaphore_mem>>)
    %add3A_31 = arith.addi %mul3A_3, %select_n3A : i32
    %add3A_32 = arith.constant 1 : i32
    %add3A_33 = vector.broadcast %add3A_32 : i32 to vector<16xi32>
    %add3A_34 = arith.addi %iota3A, %add3A_33 : vector<16xi32>
    %mul3A_35 = arith.constant 524288 : i32
    %mul3A_36 = vector.broadcast %mul3A_35 : i32 to vector<16xi32>
    %mul3A_37 = arith.muli %add3A_34, %mul3A_36 : vector<16xi32>
    %sub3A_38 = arith.constant 1 : i32
    %sub3A_39 = vector.broadcast %sub3A_38 : i32 to vector<16xi32>
    %sub3A_40 = arith.subi %mul3A_37, %sub3A_39 : vector<16xi32>
    %add3A_41 = arith.addi %broadcast_in_dim3A_1, %sub3A_40 : vector<16xi32>
    %min3A = arith.constant 6399999 : i32
    %min3A_42 = vector.broadcast %min3A : i32 to vector<16xi32>
    %min3A_43 = arith.minsi %add3A_41, %min3A_42 : vector<16xi32>
    %dma_start3A_44 = arith.constant 0 : i32
    %dma_start3A_45 = tpu.memref_slice %arg3[%dma_start3A_44] : memref<6400000xi32, #tpu.memory_space<hbm>> -> memref<6400000xi32, #tpu.memory_space<hbm>>
    tpu.enqueue_indirect_dma source(%dma_start3A_45 : memref<6400000xi32, #tpu.memory_space<hbm>>) target(%arg11 : memref<16xi32, #tpu.memory_space<vmem>>) offsets(%min3A_43 : vector<16xi32>) semaphore(%arg15 : memref<!tpu.dma_semaphore, #tpu.memory_space<semaphore_mem>>)
    %add3A_46 = arith.addi %broadcast_in_dim3A_1, %sub3A_40 : vector<16xi32>
    %min3A_47 = arith.constant 6399999 : i32
    %min3A_48 = vector.broadcast %min3A_47 : i32 to vector<16xi32>
    %min3A_49 = arith.minsi %add3A_46, %min3A_48 : vector<16xi32>
    %dma_start3A_50 = arith.constant 0 : i32
    %dma_start3A_51 = tpu.memref_slice %arg3[%dma_start3A_50] : memref<6400000xi32, #tpu.memory_space<hbm>> -> memref<6400000xi32, #tpu.memory_space<hbm>>
    tpu.enqueue_indirect_dma source(%dma_start3A_51 : memref<6400000xi32, #tpu.memory_space<hbm>>) target(%arg12 : memref<16xi32, #tpu.memory_space<vmem>>) offsets(%min3A_49 : vector<16xi32>) semaphore(%arg16 : memref<!tpu.dma_semaphore, #tpu.memory_space<semaphore_mem>>)
    %broadcast_in_dim3A_52 = arith.constant 0.000000e+00 : f32
    %broadcast_in_dim3A_53 = vector.broadcast %broadcast_in_dim3A_52 : f32 to vector<16xf32>
    %parallel_loop3A = arith.constant 0 : i32
    %parallel_loop3A_54 = arith.constant 3137 : i32
    %parallel_loop3A_55 = arith.constant 1 : i32
    scf.for %parallel_loop3A_293 = %parallel_loop3A to %parallel_loop3A_54 step %parallel_loop3A_55  : i32 {
      %parallel_loop3A_294 = arith.constant 16 : i32
      %parallel_loop3A_295 = arith.muli %parallel_loop3A_293, %parallel_loop3A_294 : i32
      %parallel_loop3A_296 = arith.index_cast %parallel_loop3A_295 : i32 to index
      %parallel_loop3A_297 = tpu.vector_load %arg5[%parallel_loop3A_296] {strides = array<i32>} : memref<50192xf32, #tpu.memory_space<vmem>>, vector<16xf32>,
      tpu.vector_store %arg5[%parallel_loop3A_296], %broadcast_in_dim3A_53 {strides = array<i32>} : memref<50192xf32, #tpu.memory_space<vmem>>, vector<16xf32>,
    } {sc.loop_unroll_factor = 8 : i64, sc.parallel_access}
    %dma_wait3A = arith.constant 0 : i32
    %dma_wait3A_56 = tpu.memref_slice %arg3[%dma_wait3A] : memref<6400000xi32, #tpu.memory_space<hbm>> -> memref<6400000xi32, #tpu.memory_space<hbm>>
    tpu.wait_indirect_dma semaphore(%arg15 : memref<!tpu.dma_semaphore, #tpu.memory_space<semaphore_mem>>) src(%dma_wait3A_56 : memref<6400000xi32, #tpu.memory_space<hbm>>) dst(%arg11 : memref<16xi32, #tpu.memory_space<vmem>>)
    %get3A = arith.constant 0 : index
    %get3A_57 = tpu.vector_load %arg11[%get3A] {strides = array<i32>} : memref<16xi32, #tpu.memory_space<vmem>>, vector<16xi32>,
    %lt3A = vector.broadcast %mul3A_3 : i32 to vector<16xi32>
    %lt3A_58 = arith.cmpi slt, %get3A_57, %lt3A : vector<16xi32>
    %lt3A_59 = arith.constant 6400000 : i32
    %lt3A_60 = vector.broadcast %lt3A_59 : i32 to vector<16xi32>
    %lt3A_61 = arith.cmpi slt, %add3A_41, %lt3A_60 : vector<16xi32>
    %and3A_62 = arith.andi %lt3A_58, %lt3A_61 : vector<16xi1>
    %all_reduce_population_count3A = tpu.all_reduce %and3A_62 {dim = 0 : i64, kind = #tpu.reduction_kind<sum>} : vector<16xi1> -> vector<16xi32>
    %mul3A_63 = arith.constant 524288 : i32
    %mul3A_64 = vector.broadcast %mul3A_63 : i32 to vector<16xi32>
    %mul3A_65 = arith.muli %all_reduce_population_count3A, %mul3A_64 : vector<16xi32>
    %add3A_66 = arith.addi %broadcast_in_dim3A_1, %mul3A_65 : vector<16xi32>
    %dma_wait3A_67 = arith.constant 0 : i32
    %dma_wait3A_68 = tpu.memref_slice %arg3[%dma_wait3A_67] : memref<6400000xi32, #tpu.memory_space<hbm>> -> memref<6400000xi32, #tpu.memory_space<hbm>>
    tpu.wait_indirect_dma semaphore(%arg16 : memref<!tpu.dma_semaphore, #tpu.memory_space<semaphore_mem>>) src(%dma_wait3A_68 : memref<6400000xi32, #tpu.memory_space<hbm>>) dst(%arg12 : memref<16xi32, #tpu.memory_space<vmem>>)
    %get3A_69 = arith.constant 0 : index
    %get3A_70 = tpu.vector_load %arg12[%get3A_69] {strides = array<i32>} : memref<16xi32, #tpu.memory_space<vmem>>, vector<16xi32>,
    %lt3A_71 = vector.broadcast %add3A_31 : i32 to vector<16xi32>
    %lt3A_72 = arith.cmpi slt, %get3A_70, %lt3A_71 : vector<16xi32>
    %lt3A_73 = arith.constant 6400000 : i32
    %lt3A_74 = vector.broadcast %lt3A_73 : i32 to vector<16xi32>
    %lt3A_75 = arith.cmpi slt, %add3A_46, %lt3A_74 : vector<16xi32>
    %and3A_76 = arith.andi %lt3A_72, %lt3A_75 : vector<16xi1>
    %all_reduce_population_count3A_77 = tpu.all_reduce %and3A_76 {dim = 0 : i64, kind = #tpu.reduction_kind<sum>} : vector<16xi1> -> vector<16xi32>
    %mul3A_78 = arith.constant 524288 : i32
    %mul3A_79 = vector.broadcast %mul3A_78 : i32 to vector<16xi32>
    %mul3A_80 = arith.muli %all_reduce_population_count3A_77, %mul3A_79 : vector<16xi32>
    %add3A_81 = arith.addi %broadcast_in_dim3A_1, %mul3A_80 : vector<16xi32>
    %add3A_82 = arith.constant 1 : i32
    %add3A_83 = vector.broadcast %add3A_82 : i32 to vector<16xi32>
    %add3A_84 = arith.addi %iota3A, %add3A_83 : vector<16xi32>
    %mul3A_85 = arith.constant 32768 : i32
    %mul3A_86 = vector.broadcast %mul3A_85 : i32 to vector<16xi32>
    %mul3A_87 = arith.muli %add3A_84, %mul3A_86 : vector<16xi32>
    %sub3A_88 = arith.constant 1 : i32
    %sub3A_89 = vector.broadcast %sub3A_88 : i32 to vector<16xi32>
    %sub3A_90 = arith.subi %mul3A_87, %sub3A_89 : vector<16xi32>
    %add3A_91 = arith.addi %add3A_66, %sub3A_90 : vector<16xi32>
    %min3A_92 = arith.constant 6399999 : i32
    %min3A_93 = vector.broadcast %min3A_92 : i32 to vector<16xi32>
    %min3A_94 = arith.minsi %add3A_91, %min3A_93 : vector<16xi32>
    %dma_start3A_95 = arith.constant 0 : i32
    %dma_start3A_96 = tpu.memref_slice %arg3[%dma_start3A_95] : memref<6400000xi32, #tpu.memory_space<hbm>> -> memref<6400000xi32, #tpu.memory_space<hbm>>
    tpu.enqueue_indirect_dma source(%dma_start3A_96 : memref<6400000xi32, #tpu.memory_space<hbm>>) target(%arg11 : memref<16xi32, #tpu.memory_space<vmem>>) offsets(%min3A_94 : vector<16xi32>) semaphore(%arg15 : memref<!tpu.dma_semaphore, #tpu.memory_space<semaphore_mem>>)
    %add3A_97 = arith.addi %add3A_81, %sub3A_90 : vector<16xi32>
    %min3A_98 = arith.constant 6399999 : i32
    %min3A_99 = vector.broadcast %min3A_98 : i32 to vector<16xi32>
    %min3A_100 = arith.minsi %add3A_97, %min3A_99 : vector<16xi32>
    %dma_start3A_101 = arith.constant 0 : i32
    %dma_start3A_102 = tpu.memref_slice %arg3[%dma_start3A_101] : memref<6400000xi32, #tpu.memory_space<hbm>> -> memref<6400000xi32, #tpu.memory_space<hbm>>
    tpu.enqueue_indirect_dma source(%dma_start3A_102 : memref<6400000xi32, #tpu.memory_space<hbm>>) target(%arg12 : memref<16xi32, #tpu.memory_space<vmem>>) offsets(%min3A_100 : vector<16xi32>) semaphore(%arg16 : memref<!tpu.dma_semaphore, #tpu.memory_space<semaphore_mem>>)
    %dma_wait3A_103 = arith.constant 0 : i32
    %dma_wait3A_104 = tpu.memref_slice %arg3[%dma_wait3A_103] : memref<6400000xi32, #tpu.memory_space<hbm>> -> memref<6400000xi32, #tpu.memory_space<hbm>>
    tpu.wait_indirect_dma semaphore(%arg15 : memref<!tpu.dma_semaphore, #tpu.memory_space<semaphore_mem>>) src(%dma_wait3A_104 : memref<6400000xi32, #tpu.memory_space<hbm>>) dst(%arg11 : memref<16xi32, #tpu.memory_space<vmem>>)
    %get3A_105 = arith.constant 0 : index
    %get3A_106 = tpu.vector_load %arg11[%get3A_105] {strides = array<i32>} : memref<16xi32, #tpu.memory_space<vmem>>, vector<16xi32>,
    %lt3A_107 = vector.broadcast %mul3A_3 : i32 to vector<16xi32>
    %lt3A_108 = arith.cmpi slt, %get3A_106, %lt3A_107 : vector<16xi32>
    %lt3A_109 = arith.constant 6400000 : i32
    %lt3A_110 = vector.broadcast %lt3A_109 : i32 to vector<16xi32>
    %lt3A_111 = arith.cmpi slt, %add3A_91, %lt3A_110 : vector<16xi32>
    %and3A_112 = arith.andi %lt3A_108, %lt3A_111 : vector<16xi1>
    %all_reduce_population_count3A_113 = tpu.all_reduce %and3A_112 {dim = 0 : i64, kind = #tpu.reduction_kind<sum>} : vector<16xi1> -> vector<16xi32>
    %mul3A_114 = arith.constant 32768 : i32
    %mul3A_115 = vector.broadcast %mul3A_114 : i32 to vector<16xi32>
    %mul3A_116 = arith.muli %all_reduce_population_count3A_113, %mul3A_115 : vector<16xi32>
    %add3A_117 = arith.addi %add3A_66, %mul3A_116 : vector<16xi32>
    %dma_wait3A_118 = arith.constant 0 : i32
    %dma_wait3A_119 = tpu.memref_slice %arg3[%dma_wait3A_118] : memref<6400000xi32, #tpu.memory_space<hbm>> -> memref<6400000xi32, #tpu.memory_space<hbm>>
    tpu.wait_indirect_dma semaphore(%arg16 : memref<!tpu.dma_semaphore, #tpu.memory_space<semaphore_mem>>) src(%dma_wait3A_119 : memref<6400000xi32, #tpu.memory_space<hbm>>) dst(%arg12 : memref<16xi32, #tpu.memory_space<vmem>>)
    %get3A_120 = arith.constant 0 : index
    %get3A_121 = tpu.vector_load %arg12[%get3A_120] {strides = array<i32>} : memref<16xi32, #tpu.memory_space<vmem>>, vector<16xi32>,
    %lt3A_122 = vector.broadcast %add3A_31 : i32 to vector<16xi32>
    %lt3A_123 = arith.cmpi slt, %get3A_121, %lt3A_122 : vector<16xi32>
    %lt3A_124 = arith.constant 6400000 : i32
    %lt3A_125 = vector.broadcast %lt3A_124 : i32 to vector<16xi32>
    %lt3A_126 = arith.cmpi slt, %add3A_97, %lt3A_125 : vector<16xi32>
    %and3A_127 = arith.andi %lt3A_123, %lt3A_126 : vector<16xi1>
    %all_reduce_population_count3A_128 = tpu.all_reduce %and3A_127 {dim = 0 : i64, kind = #tpu.reduction_kind<sum>} : vector<16xi1> -> vector<16xi32>
    %mul3A_129 = arith.constant 32768 : i32
    %mul3A_130 = vector.broadcast %mul3A_129 : i32 to vector<16xi32>
    %mul3A_131 = arith.muli %all_reduce_population_count3A_128, %mul3A_130 : vector<16xi32>
    %add3A_132 = arith.addi %add3A_81, %mul3A_131 : vector<16xi32>
    %add3A_133 = arith.constant 1 : i32
    %add3A_134 = vector.broadcast %add3A_133 : i32 to vector<16xi32>
    %add3A_135 = arith.addi %iota3A, %add3A_134 : vector<16xi32>
    %mul3A_136 = arith.constant 2048 : i32
    %mul3A_137 = vector.broadcast %mul3A_136 : i32 to vector<16xi32>
    %mul3A_138 = arith.muli %add3A_135, %mul3A_137 : vector<16xi32>
    %sub3A_139 = arith.constant 1 : i32
    %sub3A_140 = vector.broadcast %sub3A_139 : i32 to vector<16xi32>
    %sub3A_141 = arith.subi %mul3A_138, %sub3A_140 : vector<16xi32>
    %add3A_142 = arith.addi %add3A_117, %sub3A_141 : vector<16xi32>
    %min3A_143 = arith.constant 6399999 : i32
    %min3A_144 = vector.broadcast %min3A_143 : i32 to vector<16xi32>
    %min3A_145 = arith.minsi %add3A_142, %min3A_144 : vector<16xi32>
    %dma_start3A_146 = arith.constant 0 : i32
    %dma_start3A_147 = tpu.memref_slice %arg3[%dma_start3A_146] : memref<6400000xi32, #tpu.memory_space<hbm>> -> memref<6400000xi32, #tpu.memory_space<hbm>>
    tpu.enqueue_indirect_dma source(%dma_start3A_147 : memref<6400000xi32, #tpu.memory_space<hbm>>) target(%arg11 : memref<16xi32, #tpu.memory_space<vmem>>) offsets(%min3A_145 : vector<16xi32>) semaphore(%arg15 : memref<!tpu.dma_semaphore, #tpu.memory_space<semaphore_mem>>)
    %add3A_148 = arith.addi %add3A_132, %sub3A_141 : vector<16xi32>
    %min3A_149 = arith.constant 6399999 : i32
    %min3A_150 = vector.broadcast %min3A_149 : i32 to vector<16xi32>
    %min3A_151 = arith.minsi %add3A_148, %min3A_150 : vector<16xi32>
    %dma_start3A_152 = arith.constant 0 : i32
    %dma_start3A_153 = tpu.memref_slice %arg3[%dma_start3A_152] : memref<6400000xi32, #tpu.memory_space<hbm>> -> memref<6400000xi32, #tpu.memory_space<hbm>>
    tpu.enqueue_indirect_dma source(%dma_start3A_153 : memref<6400000xi32, #tpu.memory_space<hbm>>) target(%arg12 : memref<16xi32, #tpu.memory_space<vmem>>) offsets(%min3A_151 : vector<16xi32>) semaphore(%arg16 : memref<!tpu.dma_semaphore, #tpu.memory_space<semaphore_mem>>)
    %dma_wait3A_154 = arith.constant 0 : i32
    %dma_wait3A_155 = tpu.memref_slice %arg3[%dma_wait3A_154] : memref<6400000xi32, #tpu.memory_space<hbm>> -> memref<6400000xi32, #tpu.memory_space<hbm>>
    tpu.wait_indirect_dma semaphore(%arg15 : memref<!tpu.dma_semaphore, #tpu.memory_space<semaphore_mem>>) src(%dma_wait3A_155 : memref<6400000xi32, #tpu.memory_space<hbm>>) dst(%arg11 : memref<16xi32, #tpu.memory_space<vmem>>)
    %get3A_156 = arith.constant 0 : index
    %get3A_157 = tpu.vector_load %arg11[%get3A_156] {strides = array<i32>} : memref<16xi32, #tpu.memory_space<vmem>>, vector<16xi32>,
    %lt3A_158 = vector.broadcast %mul3A_3 : i32 to vector<16xi32>
    %lt3A_159 = arith.cmpi slt, %get3A_157, %lt3A_158 : vector<16xi32>
    %lt3A_160 = arith.constant 6400000 : i32
    %lt3A_161 = vector.broadcast %lt3A_160 : i32 to vector<16xi32>
    %lt3A_162 = arith.cmpi slt, %add3A_142, %lt3A_161 : vector<16xi32>
    %and3A_163 = arith.andi %lt3A_159, %lt3A_162 : vector<16xi1>
    %all_reduce_population_count3A_164 = tpu.all_reduce %and3A_163 {dim = 0 : i64, kind = #tpu.reduction_kind<sum>} : vector<16xi1> -> vector<16xi32>
    %mul3A_165 = arith.constant 2048 : i32
    %mul3A_166 = vector.broadcast %mul3A_165 : i32 to vector<16xi32>
    %mul3A_167 = arith.muli %all_reduce_population_count3A_164, %mul3A_166 : vector<16xi32>
    %add3A_168 = arith.addi %add3A_117, %mul3A_167 : vector<16xi32>
    %dma_wait3A_169 = arith.constant 0 : i32
    %dma_wait3A_170 = tpu.memref_slice %arg3[%dma_wait3A_169] : memref<6400000xi32, #tpu.memory_space<hbm>> -> memref<6400000xi32, #tpu.memory_space<hbm>>
    tpu.wait_indirect_dma semaphore(%arg16 : memref<!tpu.dma_semaphore, #tpu.memory_space<semaphore_mem>>) src(%dma_wait3A_170 : memref<6400000xi32, #tpu.memory_space<hbm>>) dst(%arg12 : memref<16xi32, #tpu.memory_space<vmem>>)
    %get3A_171 = arith.constant 0 : index
    %get3A_172 = tpu.vector_load %arg12[%get3A_171] {strides = array<i32>} : memref<16xi32, #tpu.memory_space<vmem>>, vector<16xi32>,
    %lt3A_173 = vector.broadcast %add3A_31 : i32 to vector<16xi32>
    %lt3A_174 = arith.cmpi slt, %get3A_172, %lt3A_173 : vector<16xi32>
    %lt3A_175 = arith.constant 6400000 : i32
    %lt3A_176 = vector.broadcast %lt3A_175 : i32 to vector<16xi32>
    %lt3A_177 = arith.cmpi slt, %add3A_148, %lt3A_176 : vector<16xi32>
    %and3A_178 = arith.andi %lt3A_174, %lt3A_177 : vector<16xi1>
    %all_reduce_population_count3A_179 = tpu.all_reduce %and3A_178 {dim = 0 : i64, kind = #tpu.reduction_kind<sum>} : vector<16xi1> -> vector<16xi32>
    %mul3A_180 = arith.constant 2048 : i32
    %mul3A_181 = vector.broadcast %mul3A_180 : i32 to vector<16xi32>
    %mul3A_182 = arith.muli %all_reduce_population_count3A_179, %mul3A_181 : vector<16xi32>
    %add3A_183 = arith.addi %add3A_132, %mul3A_182 : vector<16xi32>
    %eq3A_184 = arith.constant 0 : i32
    %eq3A_185 = vector.broadcast %eq3A_184 : i32 to vector<16xi32>
    %eq3A_186 = arith.cmpi eq, %iota3A, %eq3A_185 : vector<16xi32>
    %jit3A_187 = arith.constant 0 : i32
    %broadcast_in_dim3A_188 = vector.broadcast %jit3A_187 : i32 to vector<16xi32>
    %select_n3A_189 = arith.select %eq3A_186, %add3A_168, %broadcast_in_dim3A_188 : vector<16xi1>, vector<16xi32>
    %reduce_sum3A = arith.constant true
    %reduce_sum3A_190 = vector.broadcast %reduce_sum3A : i1 to vector<16xi1>
    %reduce_sum3A_191 = tpu.scan <sum>, %select_n3A_189 masked %reduce_sum3A_190 : vector<16xi32>, vector<16xi1> -> vector<16xi32>
    %reduce_sum3A_192 = vector.extract %reduce_sum3A_191[15] : i32 from vector<16xi32>
    %eq3A_193 = arith.constant 0 : i32
    %eq3A_194 = vector.broadcast %eq3A_193 : i32 to vector<16xi32>
    %eq3A_195 = arith.cmpi eq, %iota3A, %eq3A_194 : vector<16xi32>
    %jit3A_196 = arith.constant 0 : i32
    %broadcast_in_dim3A_197 = vector.broadcast %jit3A_196 : i32 to vector<16xi32>
    %select_n3A_198 = arith.select %eq3A_195, %add3A_183, %broadcast_in_dim3A_197 : vector<16xi1>, vector<16xi32>
    %reduce_sum3A_199 = arith.constant true
    %reduce_sum3A_200 = vector.broadcast %reduce_sum3A_199 : i1 to vector<16xi1>
    %reduce_sum3A_201 = tpu.scan <sum>, %select_n3A_198 masked %reduce_sum3A_200 : vector<16xi32>, vector<16xi1> -> vector<16xi32>
    %reduce_sum3A_202 = vector.extract %reduce_sum3A_201[15] : i32 from vector<16xi32>
    %add3A_203 = arith.constant 2048 : i32
    %add3A_204 = arith.addi %reduce_sum3A_202, %add3A_203 : i32
    %jit3A_205 = arith.constant 16384 : i32
    %div3A_206 = arith.divsi %reduce_sum3A_192, %jit3A_205 : i32
    %sign3A_207 = arith.constant 0 : i32
    %sign3A_208 = arith.cmpi sgt, %reduce_sum3A_192, %sign3A_207 : i32
    %sign3A_209 = arith.extui %sign3A_208 : i1 to i32
    %sign3A_210 = arith.constant 0 : i32
    %sign3A_211 = arith.cmpi slt, %reduce_sum3A_192, %sign3A_210 : i32
    %sign3A_212 = arith.extui %sign3A_211 : i1 to i32
    %sign3A_213 = arith.subi %sign3A_209, %sign3A_212 : i32
    %sign3A_214 = arith.constant 0 : i32
    %sign3A_215 = arith.cmpi sgt, %jit3A_205, %sign3A_214 : i32
    %sign3A_216 = arith.extui %sign3A_215 : i1 to i32
    %sign3A_217 = arith.constant 0 : i32
    %sign3A_218 = arith.cmpi slt, %jit3A_205, %sign3A_217 : i32
    %sign3A_219 = arith.extui %sign3A_218 : i1 to i32
    %sign3A_220 = arith.subi %sign3A_216, %sign3A_219 : i32
    %ne3A_221 = arith.cmpi ne, %sign3A_213, %sign3A_220 : i32
    %rem3A_222 = arith.remsi %reduce_sum3A_192, %jit3A_205 : i32
    %ne3A_223 = arith.constant 0 : i32
    %ne3A_224 = arith.cmpi ne, %rem3A_222, %ne3A_223 : i32
    %and3A_225 = arith.andi %ne3A_221, %ne3A_224 : i1
    %sub3A_226 = arith.constant 1 : i32
    %sub3A_227 = arith.subi %div3A_206, %sub3A_226 : i32
    %select_n3A_228 = arith.select %and3A_225, %sub3A_227, %div3A_206 : i32
    %mul3A_229 = arith.constant 16384 : i32
    %mul3A_230 = arith.muli %select_n3A_228, %mul3A_229 : i32
    %min3A_231 = arith.constant 6389760 : i32
    %min3A_232 = arith.minsi %add3A_204, %min3A_231 : i32
    %sub3A_233 = arith.subi %min3A_232, %mul3A_230 : i32
    %add3A_234 = arith.constant 16383 : i32
    %add3A_235 = arith.addi %sub3A_233, %add3A_234 : i32
    %div3A_236 = arith.constant 16384 : i32
    %div3A_237 = arith.divsi %add3A_235, %div3A_236 : i32
    %max3A = arith.constant 0 : i32
    %max3A_238 = arith.maxsi %div3A_237, %max3A : i32
    %mul3A_239 = arith.constant 3137 : i32
    %mul3A_240 = vector.broadcast %mul3A_239 : i32 to vector<16xi32>
    %mul3A_241 = arith.muli %iota3A, %mul3A_240 : vector<16xi32>
    %dma_wait3A_242 = arith.constant 0 : i32
    %dma_wait3A_243 = tpu.memref_slice %arg2[%dma_wait3A_242] : memref<6400000xf32, #tpu.memory_space<hbm>> -> memref<16384xf32, #tpu.memory_space<hbm>>
    %dma_wait3A_244 = arith.constant 0 : i32
    %dma_wait3A_245 = tpu.memref_slice %arg2[%dma_wait3A_244] : memref<6400000xf32, #tpu.memory_space<hbm>> -> memref<16384xf32, #tpu.memory_space<hbm>>
    tpu.wait_dma2 semaphore(%arg13 : memref<!tpu.dma_semaphore, #tpu.memory_space<semaphore_mem>>) src(%dma_wait3A_245 : memref<16384xf32, #tpu.memory_space<hbm>>) dst(%arg7 : memref<16384xf32, #tpu.memory_space<vmem>>)
    %dma_wait3A_246 = arith.constant 0 : i32
    %dma_wait3A_247 = tpu.memref_slice %arg3[%dma_wait3A_246] : memref<6400000xi32, #tpu.memory_space<hbm>> -> memref<16384xi32, #tpu.memory_space<hbm>>
    %dma_wait3A_248 = arith.constant 0 : i32
    %dma_wait3A_249 = tpu.memref_slice %arg3[%dma_wait3A_248] : memref<6400000xi32, #tpu.memory_space<hbm>> -> memref<16384xi32, #tpu.memory_space<hbm>>
    tpu.wait_dma2 semaphore(%arg13 : memref<!tpu.dma_semaphore, #tpu.memory_space<semaphore_mem>>) src(%dma_wait3A_249 : memref<16384xi32, #tpu.memory_space<hbm>>) dst(%arg9 : memref<16384xi32, #tpu.memory_space<vmem>>)
    %ne3A_250 = arith.cmpi ne, %mul3A_230, %mul3A_27 : i32
    %gt3A = arith.constant 0 : i32
    %gt3A_251 = arith.cmpi sgt, %max3A_238, %gt3A : i32
    %and3A_252 = arith.andi %ne3A_250, %gt3A_251 : i1
    %convert_element_type3A = arith.extui %and3A_252 : i1 to i32
    %cond3A = arith.constant 0 : i32
    %cond3A_253 = arith.cmpi ne, %convert_element_type3A, %cond3A : i32
    scf.if %cond3A_253 {
      %dma_start3A_293 = tpu.memref_slice %arg2[%mul3A_230] : memref<6400000xf32, #tpu.memory_space<hbm>> -> memref<16384xf32, #tpu.memory_space<hbm>>
      %dma_start3A_294 = tpu.memref_slice %arg2[%mul3A_230] : memref<6400000xf32, #tpu.memory_space<hbm>> -> memref<16384xf32, #tpu.memory_space<hbm>>
      tpu.enqueue_dma source(%dma_start3A_294 : memref<16384xf32, #tpu.memory_space<hbm>>) target(%arg7 : memref<16384xf32, #tpu.memory_space<vmem>>) target_semaphore(%arg13 : memref<!tpu.dma_semaphore, #tpu.memory_space<semaphore_mem>>)
      %dma_start3A_295 = tpu.memref_slice %arg3[%mul3A_230] : memref<6400000xi32, #tpu.memory_space<hbm>> -> memref<16384xi32, #tpu.memory_space<hbm>>
      %dma_start3A_296 = tpu.memref_slice %arg3[%mul3A_230] : memref<6400000xi32, #tpu.memory_space<hbm>> -> memref<16384xi32, #tpu.memory_space<hbm>>
      tpu.enqueue_dma source(%dma_start3A_296 : memref<16384xi32, #tpu.memory_space<hbm>>) target(%arg9 : memref<16384xi32, #tpu.memory_space<vmem>>) target_semaphore(%arg13 : memref<!tpu.dma_semaphore, #tpu.memory_space<semaphore_mem>>)
      %dma_wait3A_297 = arith.constant 0 : i32
      %dma_wait3A_298 = tpu.memref_slice %arg2[%dma_wait3A_297] : memref<6400000xf32, #tpu.memory_space<hbm>> -> memref<16384xf32, #tpu.memory_space<hbm>>
      %dma_wait3A_299 = arith.constant 0 : i32
      %dma_wait3A_300 = tpu.memref_slice %arg2[%dma_wait3A_299] : memref<6400000xf32, #tpu.memory_space<hbm>> -> memref<16384xf32, #tpu.memory_space<hbm>>
      tpu.wait_dma2 semaphore(%arg13 : memref<!tpu.dma_semaphore, #tpu.memory_space<semaphore_mem>>) src(%dma_wait3A_300 : memref<16384xf32, #tpu.memory_space<hbm>>) dst(%arg7 : memref<16384xf32, #tpu.memory_space<vmem>>)
      %dma_wait3A_301 = arith.constant 0 : i32
      %dma_wait3A_302 = tpu.memref_slice %arg3[%dma_wait3A_301] : memref<6400000xi32, #tpu.memory_space<hbm>> -> memref<16384xi32, #tpu.memory_space<hbm>>
      %dma_wait3A_303 = arith.constant 0 : i32
      %dma_wait3A_304 = tpu.memref_slice %arg3[%dma_wait3A_303] : memref<6400000xi32, #tpu.memory_space<hbm>> -> memref<16384xi32, #tpu.memory_space<hbm>>
      tpu.wait_dma2 semaphore(%arg13 : memref<!tpu.dma_semaphore, #tpu.memory_space<semaphore_mem>>) src(%dma_wait3A_304 : memref<16384xi32, #tpu.memory_space<hbm>>) dst(%arg9 : memref<16384xi32, #tpu.memory_space<vmem>>)
    } else {
    }
    %gt3A_254 = arith.constant 1 : i32
    %gt3A_255 = arith.cmpi sgt, %max3A_238, %gt3A_254 : i32
    %convert_element_type3A_256 = arith.extui %gt3A_255 : i1 to i32
    %cond3A_257 = arith.constant 0 : i32
    %cond3A_258 = arith.cmpi ne, %convert_element_type3A_256, %cond3A_257 : i32
    scf.if %cond3A_258 {
      %add3A_293 = arith.constant 16384 : i32
      %add3A_294 = arith.addi %mul3A_230, %add3A_293 : i32
      %dma_start3A_295 = tpu.memref_slice %arg2[%add3A_294] : memref<6400000xf32, #tpu.memory_space<hbm>> -> memref<16384xf32, #tpu.memory_space<hbm>>
      %dma_start3A_296 = tpu.memref_slice %arg2[%add3A_294] : memref<6400000xf32, #tpu.memory_space<hbm>> -> memref<16384xf32, #tpu.memory_space<hbm>>
      tpu.enqueue_dma source(%dma_start3A_296 : memref<16384xf32, #tpu.memory_space<hbm>>) target(%arg8 : memref<16384xf32, #tpu.memory_space<vmem>>) target_semaphore(%arg14 : memref<!tpu.dma_semaphore, #tpu.memory_space<semaphore_mem>>)
      %dma_start3A_297 = tpu.memref_slice %arg3[%add3A_294] : memref<6400000xi32, #tpu.memory_space<hbm>> -> memref<16384xi32, #tpu.memory_space<hbm>>
      %dma_start3A_298 = tpu.memref_slice %arg3[%add3A_294] : memref<6400000xi32, #tpu.memory_space<hbm>> -> memref<16384xi32, #tpu.memory_space<hbm>>
      tpu.enqueue_dma source(%dma_start3A_298 : memref<16384xi32, #tpu.memory_space<hbm>>) target(%arg10 : memref<16384xi32, #tpu.memory_space<vmem>>) target_semaphore(%arg14 : memref<!tpu.dma_semaphore, #tpu.memory_space<semaphore_mem>>)
    } else {
    }
    %gt3A_259 = arith.constant 0 : i32
    %gt3A_260 = arith.cmpi sgt, %max3A_238, %gt3A_259 : i32
    %convert_element_type3A_261 = arith.extui %gt3A_260 : i1 to i32
    %cond3A_262 = arith.constant 0 : i32
    %cond3A_263 = arith.cmpi ne, %convert_element_type3A_261, %cond3A_262 : i32
    scf.if %cond3A_263 {
      %parallel_loop3A_293 = arith.constant 0 : i32
      %parallel_loop3A_294 = arith.constant 1024 : i32
      %parallel_loop3A_295 = arith.constant 1 : i32
      scf.for %parallel_loop3A_296 = %parallel_loop3A_293 to %parallel_loop3A_294 step %parallel_loop3A_295  : i32 {
        %parallel_loop3A_297 = arith.constant 16 : i32
        %parallel_loop3A_298 = arith.muli %parallel_loop3A_296, %parallel_loop3A_297 : i32
        %parallel_loop3A_299 = arith.index_cast %parallel_loop3A_298 : i32 to index
        %parallel_loop3A_300 = tpu.vector_load %arg9[%parallel_loop3A_299] {strides = array<i32>} : memref<16384xi32, #tpu.memory_space<vmem>>, vector<16xi32>,
        %parallel_loop3A_301 = arith.index_cast %parallel_loop3A_298 : i32 to index
        %parallel_loop3A_302 = tpu.vector_load %arg7[%parallel_loop3A_301] {strides = array<i32>} : memref<16384xf32, #tpu.memory_space<vmem>>, vector<16xf32>,
        %parallel_loop3A_303 = vector.broadcast %mul3A_3 : i32 to vector<16xi32>
        %parallel_loop3A_304 = arith.subi %parallel_loop3A_300, %parallel_loop3A_303 : vector<16xi32>
        %parallel_loop3A_305 = arith.constant 0 : i32
        %parallel_loop3A_306 = vector.broadcast %parallel_loop3A_305 : i32 to vector<16xi32>
        %parallel_loop3A_307 = arith.cmpi sge, %parallel_loop3A_304, %parallel_loop3A_306 : vector<16xi32>
        %parallel_loop3A_308 = vector.broadcast %select_n3A : i32 to vector<16xi32>
        %parallel_loop3A_309 = arith.cmpi slt, %parallel_loop3A_304, %parallel_loop3A_308 : vector<16xi32>
        %parallel_loop3A_310 = arith.andi %parallel_loop3A_307, %parallel_loop3A_309 : vector<16xi1>
        %parallel_loop3A_311 = arith.constant 3136 : i32
        %parallel_loop3A_312 = vector.broadcast %parallel_loop3A_311 : i32 to vector<16xi32>
        %parallel_loop3A_313 = arith.select %parallel_loop3A_310, %parallel_loop3A_304, %parallel_loop3A_312 : vector<16xi1>, vector<16xi32>
        %parallel_loop3A_314 = arith.addi %parallel_loop3A_313, %mul3A_241 : vector<16xi32>
        tpu.vector_store_idx %arg5[%parallel_loop3A_314], %parallel_loop3A_302 {add = true} : memref<50192xf32, #tpu.memory_space<vmem>>[vector<16xi32>], vector<16xf32>,
      } {sc.loop_unroll_factor = 8 : i64, sc.parallel_access}
    } else {
    }
    %div3A_264 = arith.constant 2 : i32
    %div3A_265 = arith.divsi %max3A_238, %div3A_264 : i32
    %while3A = arith.constant 0 : i32
    %while3A_266 = arith.constant 0 : i32
    %while3A_267 = arith.subi %div3A_265, %while3A_266 : i32
    %while3A_268 = arith.addi %while3A_266, %while3A_267 : i32
    %while3A_269 = arith.constant 1 : i32
    %while3A_270 = arith.divsi %while3A_267, %while3A_269 : i32
    %while3A_271 = arith.muli %while3A_270, %while3A_269 : i32
    %while3A_272 = arith.addi %while3A_266, %while3A_271 : i32
    %while3A_273 = arith.constant 1 : i32
    scf.for %while3A_293 = %while3A_266 to %while3A_272 step %while3A_273  : i32 {
      %mul3A_294 = arith.constant 2 : i32
      %mul3A_295 = arith.muli %while3A_293, %mul3A_294 : i32
      %add3A_296 = arith.constant 1 : i32
      %add3A_297 = arith.addi %mul3A_295, %add3A_296 : i32
      %lt3A_298 = arith.cmpi slt, %add3A_297, %max3A_238 : i32
      %convert_element_type3A_299 = arith.extui %lt3A_298 : i1 to i32
      %cond3A_300 = arith.constant 0 : i32
      %cond3A_301 = arith.cmpi ne, %convert_element_type3A_299, %cond3A_300 : i32
      scf.if %cond3A_301 {
        %dma_wait3A_310 = arith.constant 0 : i32
        %dma_wait3A_311 = tpu.memref_slice %arg2[%dma_wait3A_310] : memref<6400000xf32, #tpu.memory_space<hbm>> -> memref<16384xf32, #tpu.memory_space<hbm>>
        %dma_wait3A_312 = arith.constant 0 : i32
        %dma_wait3A_313 = tpu.memref_slice %arg2[%dma_wait3A_312] : memref<6400000xf32, #tpu.memory_space<hbm>> -> memref<16384xf32, #tpu.memory_space<hbm>>
        tpu.wait_dma2 semaphore(%arg14 : memref<!tpu.dma_semaphore, #tpu.memory_space<semaphore_mem>>) src(%dma_wait3A_313 : memref<16384xf32, #tpu.memory_space<hbm>>) dst(%arg8 : memref<16384xf32, #tpu.memory_space<vmem>>)
        %dma_wait3A_314 = arith.constant 0 : i32
        %dma_wait3A_315 = tpu.memref_slice %arg3[%dma_wait3A_314] : memref<6400000xi32, #tpu.memory_space<hbm>> -> memref<16384xi32, #tpu.memory_space<hbm>>
        %dma_wait3A_316 = arith.constant 0 : i32
        %dma_wait3A_317 = tpu.memref_slice %arg3[%dma_wait3A_316] : memref<6400000xi32, #tpu.memory_space<hbm>> -> memref<16384xi32, #tpu.memory_space<hbm>>
        tpu.wait_dma2 semaphore(%arg14 : memref<!tpu.dma_semaphore, #tpu.memory_space<semaphore_mem>>) src(%dma_wait3A_317 : memref<16384xi32, #tpu.memory_space<hbm>>) dst(%arg10 : memref<16384xi32, #tpu.memory_space<vmem>>)
        %add3A_318 = arith.constant 1 : i32
        %add3A_319 = arith.addi %add3A_297, %add3A_318 : i32
        %lt3A_320 = arith.cmpi slt, %add3A_319, %max3A_238 : i32
        %convert_element_type3A_321 = arith.extui %lt3A_320 : i1 to i32
        %cond3A_322 = arith.constant 0 : i32
        %cond3A_323 = arith.cmpi ne, %convert_element_type3A_321, %cond3A_322 : i32
        scf.if %cond3A_323 {
          %add3A_327 = arith.constant 1 : i32
          %add3A_328 = arith.addi %add3A_297, %add3A_327 : i32
          %mul3A_329 = arith.constant 16384 : i32
          %mul3A_330 = arith.muli %add3A_328, %mul3A_329 : i32
          %add3A_331 = arith.addi %mul3A_230, %mul3A_330 : i32
          %dma_start3A_332 = tpu.memref_slice %arg2[%add3A_331] : memref<6400000xf32, #tpu.memory_space<hbm>> -> memref<16384xf32, #tpu.memory_space<hbm>>
          %dma_start3A_333 = tpu.memref_slice %arg2[%add3A_331] : memref<6400000xf32, #tpu.memory_space<hbm>> -> memref<16384xf32, #tpu.memory_space<hbm>>
          tpu.enqueue_dma source(%dma_start3A_333 : memref<16384xf32, #tpu.memory_space<hbm>>) target(%arg7 : memref<16384xf32, #tpu.memory_space<vmem>>) target_semaphore(%arg13 : memref<!tpu.dma_semaphore, #tpu.memory_space<semaphore_mem>>)
          %dma_start3A_334 = tpu.memref_slice %arg3[%add3A_331] : memref<6400000xi32, #tpu.memory_space<hbm>> -> memref<16384xi32, #tpu.memory_space<hbm>>
          %dma_start3A_335 = tpu.memref_slice %arg3[%add3A_331] : memref<6400000xi32, #tpu.memory_space<hbm>> -> memref<16384xi32, #tpu.memory_space<hbm>>
          tpu.enqueue_dma source(%dma_start3A_335 : memref<16384xi32, #tpu.memory_space<hbm>>) target(%arg9 : memref<16384xi32, #tpu.memory_space<vmem>>) target_semaphore(%arg13 : memref<!tpu.dma_semaphore, #tpu.memory_space<semaphore_mem>>)
        } else {
        }
        %parallel_loop3A_324 = arith.constant 0 : i32
        %parallel_loop3A_325 = arith.constant 1024 : i32
        %parallel_loop3A_326 = arith.constant 1 : i32
        scf.for %parallel_loop3A_327 = %parallel_loop3A_324 to %parallel_loop3A_325 step %parallel_loop3A_326  : i32 {
          %parallel_loop3A_328 = arith.constant 16 : i32
          %parallel_loop3A_329 = arith.muli %parallel_loop3A_327, %parallel_loop3A_328 : i32
          %parallel_loop3A_330 = arith.index_cast %parallel_loop3A_329 : i32 to index
          %parallel_loop3A_331 = tpu.vector_load %arg10[%parallel_loop3A_330] {strides = array<i32>} : memref<16384xi32, #tpu.memory_space<vmem>>, vector<16xi32>,
          %parallel_loop3A_332 = arith.index_cast %parallel_loop3A_329 : i32 to index
          %parallel_loop3A_333 = tpu.vector_load %arg8[%parallel_loop3A_332] {strides = array<i32>} : memref<16384xf32, #tpu.memory_space<vmem>>, vector<16xf32>,
          %parallel_loop3A_334 = vector.broadcast %mul3A_3 : i32 to vector<16xi32>
          %parallel_loop3A_335 = arith.subi %parallel_loop3A_331, %parallel_loop3A_334 : vector<16xi32>
          %parallel_loop3A_336 = arith.constant 0 : i32
          %parallel_loop3A_337 = vector.broadcast %parallel_loop3A_336 : i32 to vector<16xi32>
          %parallel_loop3A_338 = arith.cmpi sge, %parallel_loop3A_335, %parallel_loop3A_337 : vector<16xi32>
          %parallel_loop3A_339 = vector.broadcast %select_n3A : i32 to vector<16xi32>
          %parallel_loop3A_340 = arith.cmpi slt, %parallel_loop3A_335, %parallel_loop3A_339 : vector<16xi32>
          %parallel_loop3A_341 = arith.andi %parallel_loop3A_338, %parallel_loop3A_340 : vector<16xi1>
          %parallel_loop3A_342 = arith.constant 3136 : i32
          %parallel_loop3A_343 = vector.broadcast %parallel_loop3A_342 : i32 to vector<16xi32>
          %parallel_loop3A_344 = arith.select %parallel_loop3A_341, %parallel_loop3A_335, %parallel_loop3A_343 : vector<16xi1>, vector<16xi32>
          %parallel_loop3A_345 = arith.addi %parallel_loop3A_344, %mul3A_241 : vector<16xi32>
          tpu.vector_store_idx %arg5[%parallel_loop3A_345], %parallel_loop3A_333 {add = true} : memref<50192xf32, #tpu.memory_space<vmem>>[vector<16xi32>], vector<16xf32>,
        } {sc.loop_unroll_factor = 8 : i64, sc.parallel_access}
      } else {
      }
      %mul3A_302 = arith.constant 2 : i32
      %mul3A_303 = arith.muli %while3A_293, %mul3A_302 : i32
      %add3A_304 = arith.constant 2 : i32
      %add3A_305 = arith.addi %mul3A_303, %add3A_304 : i32
      %lt3A_306 = arith.cmpi slt, %add3A_305, %max3A_238 : i32
      %convert_element_type3A_307 = arith.extui %lt3A_306 : i1 to i32
      %cond3A_308 = arith.constant 0 : i32
      %cond3A_309 = arith.cmpi ne, %convert_element_type3A_307, %cond3A_308 : i32
      scf.if %cond3A_309 {
        %dma_wait3A_310 = arith.constant 0 : i32
        %dma_wait3A_311 = tpu.memref_slice %arg2[%dma_wait3A_310] : memref<6400000xf32, #tpu.memory_space<hbm>> -> memref<16384xf32, #tpu.memory_space<hbm>>
        %dma_wait3A_312 = arith.constant 0 : i32
        %dma_wait3A_313 = tpu.memref_slice %arg2[%dma_wait3A_312] : memref<6400000xf32, #tpu.memory_space<hbm>> -> memref<16384xf32, #tpu.memory_space<hbm>>
        tpu.wait_dma2 semaphore(%arg13 : memref<!tpu.dma_semaphore, #tpu.memory_space<semaphore_mem>>) src(%dma_wait3A_313 : memref<16384xf32, #tpu.memory_space<hbm>>) dst(%arg7 : memref<16384xf32, #tpu.memory_space<vmem>>)
        %dma_wait3A_314 = arith.constant 0 : i32
        %dma_wait3A_315 = tpu.memref_slice %arg3[%dma_wait3A_314] : memref<6400000xi32, #tpu.memory_space<hbm>> -> memref<16384xi32, #tpu.memory_space<hbm>>
        %dma_wait3A_316 = arith.constant 0 : i32
        %dma_wait3A_317 = tpu.memref_slice %arg3[%dma_wait3A_316] : memref<6400000xi32, #tpu.memory_space<hbm>> -> memref<16384xi32, #tpu.memory_space<hbm>>
        tpu.wait_dma2 semaphore(%arg13 : memref<!tpu.dma_semaphore, #tpu.memory_space<semaphore_mem>>) src(%dma_wait3A_317 : memref<16384xi32, #tpu.memory_space<hbm>>) dst(%arg9 : memref<16384xi32, #tpu.memory_space<vmem>>)
        %add3A_318 = arith.constant 1 : i32
        %add3A_319 = arith.addi %add3A_305, %add3A_318 : i32
        %lt3A_320 = arith.cmpi slt, %add3A_319, %max3A_238 : i32
        %convert_element_type3A_321 = arith.extui %lt3A_320 : i1 to i32
        %cond3A_322 = arith.constant 0 : i32
        %cond3A_323 = arith.cmpi ne, %convert_element_type3A_321, %cond3A_322 : i32
        scf.if %cond3A_323 {
          %add3A_327 = arith.constant 1 : i32
          %add3A_328 = arith.addi %add3A_305, %add3A_327 : i32
          %mul3A_329 = arith.constant 16384 : i32
          %mul3A_330 = arith.muli %add3A_328, %mul3A_329 : i32
          %add3A_331 = arith.addi %mul3A_230, %mul3A_330 : i32
          %dma_start3A_332 = tpu.memref_slice %arg2[%add3A_331] : memref<6400000xf32, #tpu.memory_space<hbm>> -> memref<16384xf32, #tpu.memory_space<hbm>>
          %dma_start3A_333 = tpu.memref_slice %arg2[%add3A_331] : memref<6400000xf32, #tpu.memory_space<hbm>> -> memref<16384xf32, #tpu.memory_space<hbm>>
          tpu.enqueue_dma source(%dma_start3A_333 : memref<16384xf32, #tpu.memory_space<hbm>>) target(%arg8 : memref<16384xf32, #tpu.memory_space<vmem>>) target_semaphore(%arg14 : memref<!tpu.dma_semaphore, #tpu.memory_space<semaphore_mem>>)
          %dma_start3A_334 = tpu.memref_slice %arg3[%add3A_331] : memref<6400000xi32, #tpu.memory_space<hbm>> -> memref<16384xi32, #tpu.memory_space<hbm>>
          %dma_start3A_335 = tpu.memref_slice %arg3[%add3A_331] : memref<6400000xi32, #tpu.memory_space<hbm>> -> memref<16384xi32, #tpu.memory_space<hbm>>
          tpu.enqueue_dma source(%dma_start3A_335 : memref<16384xi32, #tpu.memory_space<hbm>>) target(%arg10 : memref<16384xi32, #tpu.memory_space<vmem>>) target_semaphore(%arg14 : memref<!tpu.dma_semaphore, #tpu.memory_space<semaphore_mem>>)
        } else {
        }
        %parallel_loop3A_324 = arith.constant 0 : i32
        %parallel_loop3A_325 = arith.constant 1024 : i32
        %parallel_loop3A_326 = arith.constant 1 : i32
        scf.for %parallel_loop3A_327 = %parallel_loop3A_324 to %parallel_loop3A_325 step %parallel_loop3A_326  : i32 {
          %parallel_loop3A_328 = arith.constant 16 : i32
          %parallel_loop3A_329 = arith.muli %parallel_loop3A_327, %parallel_loop3A_328 : i32
          %parallel_loop3A_330 = arith.index_cast %parallel_loop3A_329 : i32 to index
          %parallel_loop3A_331 = tpu.vector_load %arg9[%parallel_loop3A_330] {strides = array<i32>} : memref<16384xi32, #tpu.memory_space<vmem>>, vector<16xi32>,
          %parallel_loop3A_332 = arith.index_cast %parallel_loop3A_329 : i32 to index
          %parallel_loop3A_333 = tpu.vector_load %arg7[%parallel_loop3A_332] {strides = array<i32>} : memref<16384xf32, #tpu.memory_space<vmem>>, vector<16xf32>,
          %parallel_loop3A_334 = vector.broadcast %mul3A_3 : i32 to vector<16xi32>
          %parallel_loop3A_335 = arith.subi %parallel_loop3A_331, %parallel_loop3A_334 : vector<16xi32>
          %parallel_loop3A_336 = arith.constant 0 : i32
          %parallel_loop3A_337 = vector.broadcast %parallel_loop3A_336 : i32 to vector<16xi32>
          %parallel_loop3A_338 = arith.cmpi sge, %parallel_loop3A_335, %parallel_loop3A_337 : vector<16xi32>
          %parallel_loop3A_339 = vector.broadcast %select_n3A : i32 to vector<16xi32>
          %parallel_loop3A_340 = arith.cmpi slt, %parallel_loop3A_335, %parallel_loop3A_339 : vector<16xi32>
          %parallel_loop3A_341 = arith.andi %parallel_loop3A_338, %parallel_loop3A_340 : vector<16xi1>
          %parallel_loop3A_342 = arith.constant 3136 : i32
          %parallel_loop3A_343 = vector.broadcast %parallel_loop3A_342 : i32 to vector<16xi32>
          %parallel_loop3A_344 = arith.select %parallel_loop3A_341, %parallel_loop3A_335, %parallel_loop3A_343 : vector<16xi1>, vector<16xi32>
          %parallel_loop3A_345 = arith.addi %parallel_loop3A_344, %mul3A_241 : vector<16xi32>
          tpu.vector_store_idx %arg5[%parallel_loop3A_345], %parallel_loop3A_333 {add = true} : memref<50192xf32, #tpu.memory_space<vmem>>[vector<16xi32>], vector<16xf32>,
        } {sc.loop_unroll_factor = 8 : i64, sc.parallel_access}
      } else {
      }
    }
    %while3A_274 = arith.constant 1 : i32
    scf.for %while3A_293 = %while3A_272 to %while3A_268 step %while3A_274  : i32 {
      %mul3A_294 = arith.constant 2 : i32
      %mul3A_295 = arith.muli %while3A_293, %mul3A_294 : i32
      %add3A_296 = arith.constant 1 : i32
      %add3A_297 = arith.addi %mul3A_295, %add3A_296 : i32
      %lt3A_298 = arith.cmpi slt, %add3A_297, %max3A_238 : i32
      %convert_element_type3A_299 = arith.extui %lt3A_298 : i1 to i32
      %cond3A_300 = arith.constant 0 : i32
      %cond3A_301 = arith.cmpi ne, %convert_element_type3A_299, %cond3A_300 : i32
      scf.if %cond3A_301 {
        %dma_wait3A_310 = arith.constant 0 : i32
        %dma_wait3A_311 = tpu.memref_slice %arg2[%dma_wait3A_310] : memref<6400000xf32, #tpu.memory_space<hbm>> -> memref<16384xf32, #tpu.memory_space<hbm>>
        %dma_wait3A_312 = arith.constant 0 : i32
        %dma_wait3A_313 = tpu.memref_slice %arg2[%dma_wait3A_312] : memref<6400000xf32, #tpu.memory_space<hbm>> -> memref<16384xf32, #tpu.memory_space<hbm>>
        tpu.wait_dma2 semaphore(%arg14 : memref<!tpu.dma_semaphore, #tpu.memory_space<semaphore_mem>>) src(%dma_wait3A_313 : memref<16384xf32, #tpu.memory_space<hbm>>) dst(%arg8 : memref<16384xf32, #tpu.memory_space<vmem>>)
        %dma_wait3A_314 = arith.constant 0 : i32
        %dma_wait3A_315 = tpu.memref_slice %arg3[%dma_wait3A_314] : memref<6400000xi32, #tpu.memory_space<hbm>> -> memref<16384xi32, #tpu.memory_space<hbm>>
        %dma_wait3A_316 = arith.constant 0 : i32
        %dma_wait3A_317 = tpu.memref_slice %arg3[%dma_wait3A_316] : memref<6400000xi32, #tpu.memory_space<hbm>> -> memref<16384xi32, #tpu.memory_space<hbm>>
        tpu.wait_dma2 semaphore(%arg14 : memref<!tpu.dma_semaphore, #tpu.memory_space<semaphore_mem>>) src(%dma_wait3A_317 : memref<16384xi32, #tpu.memory_space<hbm>>) dst(%arg10 : memref<16384xi32, #tpu.memory_space<vmem>>)
        %add3A_318 = arith.constant 1 : i32
        %add3A_319 = arith.addi %add3A_297, %add3A_318 : i32
        %lt3A_320 = arith.cmpi slt, %add3A_319, %max3A_238 : i32
        %convert_element_type3A_321 = arith.extui %lt3A_320 : i1 to i32
        %cond3A_322 = arith.constant 0 : i32
        %cond3A_323 = arith.cmpi ne, %convert_element_type3A_321, %cond3A_322 : i32
        scf.if %cond3A_323 {
          %add3A_327 = arith.constant 1 : i32
          %add3A_328 = arith.addi %add3A_297, %add3A_327 : i32
          %mul3A_329 = arith.constant 16384 : i32
          %mul3A_330 = arith.muli %add3A_328, %mul3A_329 : i32
          %add3A_331 = arith.addi %mul3A_230, %mul3A_330 : i32
          %dma_start3A_332 = tpu.memref_slice %arg2[%add3A_331] : memref<6400000xf32, #tpu.memory_space<hbm>> -> memref<16384xf32, #tpu.memory_space<hbm>>
          %dma_start3A_333 = tpu.memref_slice %arg2[%add3A_331] : memref<6400000xf32, #tpu.memory_space<hbm>> -> memref<16384xf32, #tpu.memory_space<hbm>>
          tpu.enqueue_dma source(%dma_start3A_333 : memref<16384xf32, #tpu.memory_space<hbm>>) target(%arg7 : memref<16384xf32, #tpu.memory_space<vmem>>) target_semaphore(%arg13 : memref<!tpu.dma_semaphore, #tpu.memory_space<semaphore_mem>>)
          %dma_start3A_334 = tpu.memref_slice %arg3[%add3A_331] : memref<6400000xi32, #tpu.memory_space<hbm>> -> memref<16384xi32, #tpu.memory_space<hbm>>
          %dma_start3A_335 = tpu.memref_slice %arg3[%add3A_331] : memref<6400000xi32, #tpu.memory_space<hbm>> -> memref<16384xi32, #tpu.memory_space<hbm>>
          tpu.enqueue_dma source(%dma_start3A_335 : memref<16384xi32, #tpu.memory_space<hbm>>) target(%arg9 : memref<16384xi32, #tpu.memory_space<vmem>>) target_semaphore(%arg13 : memref<!tpu.dma_semaphore, #tpu.memory_space<semaphore_mem>>)
        } else {
        }
        %parallel_loop3A_324 = arith.constant 0 : i32
        %parallel_loop3A_325 = arith.constant 1024 : i32
        %parallel_loop3A_326 = arith.constant 1 : i32
        scf.for %parallel_loop3A_327 = %parallel_loop3A_324 to %parallel_loop3A_325 step %parallel_loop3A_326  : i32 {
          %parallel_loop3A_328 = arith.constant 16 : i32
          %parallel_loop3A_329 = arith.muli %parallel_loop3A_327, %parallel_loop3A_328 : i32
          %parallel_loop3A_330 = arith.index_cast %parallel_loop3A_329 : i32 to index
          %parallel_loop3A_331 = tpu.vector_load %arg10[%parallel_loop3A_330] {strides = array<i32>} : memref<16384xi32, #tpu.memory_space<vmem>>, vector<16xi32>,
          %parallel_loop3A_332 = arith.index_cast %parallel_loop3A_329 : i32 to index
          %parallel_loop3A_333 = tpu.vector_load %arg8[%parallel_loop3A_332] {strides = array<i32>} : memref<16384xf32, #tpu.memory_space<vmem>>, vector<16xf32>,
          %parallel_loop3A_334 = vector.broadcast %mul3A_3 : i32 to vector<16xi32>
          %parallel_loop3A_335 = arith.subi %parallel_loop3A_331, %parallel_loop3A_334 : vector<16xi32>
          %parallel_loop3A_336 = arith.constant 0 : i32
          %parallel_loop3A_337 = vector.broadcast %parallel_loop3A_336 : i32 to vector<16xi32>
          %parallel_loop3A_338 = arith.cmpi sge, %parallel_loop3A_335, %parallel_loop3A_337 : vector<16xi32>
          %parallel_loop3A_339 = vector.broadcast %select_n3A : i32 to vector<16xi32>
          %parallel_loop3A_340 = arith.cmpi slt, %parallel_loop3A_335, %parallel_loop3A_339 : vector<16xi32>
          %parallel_loop3A_341 = arith.andi %parallel_loop3A_338, %parallel_loop3A_340 : vector<16xi1>
          %parallel_loop3A_342 = arith.constant 3136 : i32
          %parallel_loop3A_343 = vector.broadcast %parallel_loop3A_342 : i32 to vector<16xi32>
          %parallel_loop3A_344 = arith.select %parallel_loop3A_341, %parallel_loop3A_335, %parallel_loop3A_343 : vector<16xi1>, vector<16xi32>
          %parallel_loop3A_345 = arith.addi %parallel_loop3A_344, %mul3A_241 : vector<16xi32>
          tpu.vector_store_idx %arg5[%parallel_loop3A_345], %parallel_loop3A_333 {add = true} : memref<50192xf32, #tpu.memory_space<vmem>>[vector<16xi32>], vector<16xf32>,
        } {sc.loop_unroll_factor = 8 : i64, sc.parallel_access}
      } else {
      }
      %mul3A_302 = arith.constant 2 : i32
      %mul3A_303 = arith.muli %while3A_293, %mul3A_302 : i32
      %add3A_304 = arith.constant 2 : i32
      %add3A_305 = arith.addi %mul3A_303, %add3A_304 : i32
      %lt3A_306 = arith.cmpi slt, %add3A_305, %max3A_238 : i32
      %convert_element_type3A_307 = arith.extui %lt3A_306 : i1 to i32
      %cond3A_308 = arith.constant 0 : i32
      %cond3A_309 = arith.cmpi ne, %convert_element_type3A_307, %cond3A_308 : i32
      scf.if %cond3A_309 {
        %dma_wait3A_310 = arith.constant 0 : i32
        %dma_wait3A_311 = tpu.memref_slice %arg2[%dma_wait3A_310] : memref<6400000xf32, #tpu.memory_space<hbm>> -> memref<16384xf32, #tpu.memory_space<hbm>>
        %dma_wait3A_312 = arith.constant 0 : i32
        %dma_wait3A_313 = tpu.memref_slice %arg2[%dma_wait3A_312] : memref<6400000xf32, #tpu.memory_space<hbm>> -> memref<16384xf32, #tpu.memory_space<hbm>>
        tpu.wait_dma2 semaphore(%arg13 : memref<!tpu.dma_semaphore, #tpu.memory_space<semaphore_mem>>) src(%dma_wait3A_313 : memref<16384xf32, #tpu.memory_space<hbm>>) dst(%arg7 : memref<16384xf32, #tpu.memory_space<vmem>>)
        %dma_wait3A_314 = arith.constant 0 : i32
        %dma_wait3A_315 = tpu.memref_slice %arg3[%dma_wait3A_314] : memref<6400000xi32, #tpu.memory_space<hbm>> -> memref<16384xi32, #tpu.memory_space<hbm>>
        %dma_wait3A_316 = arith.constant 0 : i32
        %dma_wait3A_317 = tpu.memref_slice %arg3[%dma_wait3A_316] : memref<6400000xi32, #tpu.memory_space<hbm>> -> memref<16384xi32, #tpu.memory_space<hbm>>
        tpu.wait_dma2 semaphore(%arg13 : memref<!tpu.dma_semaphore, #tpu.memory_space<semaphore_mem>>) src(%dma_wait3A_317 : memref<16384xi32, #tpu.memory_space<hbm>>) dst(%arg9 : memref<16384xi32, #tpu.memory_space<vmem>>)
        %add3A_318 = arith.constant 1 : i32
        %add3A_319 = arith.addi %add3A_305, %add3A_318 : i32
        %lt3A_320 = arith.cmpi slt, %add3A_319, %max3A_238 : i32
        %convert_element_type3A_321 = arith.extui %lt3A_320 : i1 to i32
        %cond3A_322 = arith.constant 0 : i32
        %cond3A_323 = arith.cmpi ne, %convert_element_type3A_321, %cond3A_322 : i32
        scf.if %cond3A_323 {
          %add3A_327 = arith.constant 1 : i32
          %add3A_328 = arith.addi %add3A_305, %add3A_327 : i32
          %mul3A_329 = arith.constant 16384 : i32
          %mul3A_330 = arith.muli %add3A_328, %mul3A_329 : i32
          %add3A_331 = arith.addi %mul3A_230, %mul3A_330 : i32
          %dma_start3A_332 = tpu.memref_slice %arg2[%add3A_331] : memref<6400000xf32, #tpu.memory_space<hbm>> -> memref<16384xf32, #tpu.memory_space<hbm>>
          %dma_start3A_333 = tpu.memref_slice %arg2[%add3A_331] : memref<6400000xf32, #tpu.memory_space<hbm>> -> memref<16384xf32, #tpu.memory_space<hbm>>
          tpu.enqueue_dma source(%dma_start3A_333 : memref<16384xf32, #tpu.memory_space<hbm>>) target(%arg8 : memref<16384xf32, #tpu.memory_space<vmem>>) target_semaphore(%arg14 : memref<!tpu.dma_semaphore, #tpu.memory_space<semaphore_mem>>)
          %dma_start3A_334 = tpu.memref_slice %arg3[%add3A_331] : memref<6400000xi32, #tpu.memory_space<hbm>> -> memref<16384xi32, #tpu.memory_space<hbm>>
          %dma_start3A_335 = tpu.memref_slice %arg3[%add3A_331] : memref<6400000xi32, #tpu.memory_space<hbm>> -> memref<16384xi32, #tpu.memory_space<hbm>>
          tpu.enqueue_dma source(%dma_start3A_335 : memref<16384xi32, #tpu.memory_space<hbm>>) target(%arg10 : memref<16384xi32, #tpu.memory_space<vmem>>) target_semaphore(%arg14 : memref<!tpu.dma_semaphore, #tpu.memory_space<semaphore_mem>>)
        } else {
        }
        %parallel_loop3A_324 = arith.constant 0 : i32
        %parallel_loop3A_325 = arith.constant 1024 : i32
        %parallel_loop3A_326 = arith.constant 1 : i32
        scf.for %parallel_loop3A_327 = %parallel_loop3A_324 to %parallel_loop3A_325 step %parallel_loop3A_326  : i32 {
          %parallel_loop3A_328 = arith.constant 16 : i32
          %parallel_loop3A_329 = arith.muli %parallel_loop3A_327, %parallel_loop3A_328 : i32
          %parallel_loop3A_330 = arith.index_cast %parallel_loop3A_329 : i32 to index
          %parallel_loop3A_331 = tpu.vector_load %arg9[%parallel_loop3A_330] {strides = array<i32>} : memref<16384xi32, #tpu.memory_space<vmem>>, vector<16xi32>,
          %parallel_loop3A_332 = arith.index_cast %parallel_loop3A_329 : i32 to index
          %parallel_loop3A_333 = tpu.vector_load %arg7[%parallel_loop3A_332] {strides = array<i32>} : memref<16384xf32, #tpu.memory_space<vmem>>, vector<16xf32>,
          %parallel_loop3A_334 = vector.broadcast %mul3A_3 : i32 to vector<16xi32>
          %parallel_loop3A_335 = arith.subi %parallel_loop3A_331, %parallel_loop3A_334 : vector<16xi32>
          %parallel_loop3A_336 = arith.constant 0 : i32
          %parallel_loop3A_337 = vector.broadcast %parallel_loop3A_336 : i32 to vector<16xi32>
          %parallel_loop3A_338 = arith.cmpi sge, %parallel_loop3A_335, %parallel_loop3A_337 : vector<16xi32>
          %parallel_loop3A_339 = vector.broadcast %select_n3A : i32 to vector<16xi32>
          %parallel_loop3A_340 = arith.cmpi slt, %parallel_loop3A_335, %parallel_loop3A_339 : vector<16xi32>
          %parallel_loop3A_341 = arith.andi %parallel_loop3A_338, %parallel_loop3A_340 : vector<16xi1>
          %parallel_loop3A_342 = arith.constant 3136 : i32
          %parallel_loop3A_343 = vector.broadcast %parallel_loop3A_342 : i32 to vector<16xi32>
          %parallel_loop3A_344 = arith.select %parallel_loop3A_341, %parallel_loop3A_335, %parallel_loop3A_343 : vector<16xi1>, vector<16xi32>
          %parallel_loop3A_345 = arith.addi %parallel_loop3A_344, %mul3A_241 : vector<16xi32>
          tpu.vector_store_idx %arg5[%parallel_loop3A_345], %parallel_loop3A_333 {add = true} : memref<50192xf32, #tpu.memory_space<vmem>>[vector<16xi32>], vector<16xf32>,
        } {sc.loop_unroll_factor = 8 : i64, sc.parallel_access}
      } else {
      }
    }
    %gt3A_275 = arith.constant 6389760 : i32
    %gt3A_276 = arith.cmpi sgt, %add3A_204, %gt3A_275 : i32
    %convert_element_type3A_277 = arith.extui %gt3A_276 : i1 to i32
    %cond3A_278 = arith.constant 0 : i32
    %cond3A_279 = arith.cmpi ne, %convert_element_type3A_277, %cond3A_278 : i32
    scf.if %cond3A_279 {
      "tpu.region"() ({
        %run_scoped3A = tpu.sem_alloc : memref<!tpu.dma_semaphore, #tpu.memory_space<semaphore_mem>>
        %dma_start3A_296 = arith.constant 0 : i32
        %dma_start3A_297 = tpu.memref_slice %arg7[%dma_start3A_296] : memref<16384xf32, #tpu.memory_space<vmem>> -> memref<10240xf32, #tpu.memory_space<vmem>>
        %dma_start3A_298 = arith.constant 6389760 : i32
        %dma_start3A_299 = tpu.memref_slice %arg2[%dma_start3A_298] : memref<6400000xf32, #tpu.memory_space<hbm>> -> memref<10240xf32, #tpu.memory_space<hbm>>
        %dma_start3A_300 = arith.constant 0 : i32
        %dma_start3A_301 = tpu.memref_slice %arg7[%dma_start3A_300] : memref<16384xf32, #tpu.memory_space<vmem>> -> memref<10240xf32, #tpu.memory_space<vmem>>
        %dma_start3A_302 = arith.constant 6389760 : i32
        %dma_start3A_303 = tpu.memref_slice %arg2[%dma_start3A_302] : memref<6400000xf32, #tpu.memory_space<hbm>> -> memref<10240xf32, #tpu.memory_space<hbm>>
        tpu.enqueue_dma source(%dma_start3A_303 : memref<10240xf32, #tpu.memory_space<hbm>>) target(%dma_start3A_301 : memref<10240xf32, #tpu.memory_space<vmem>>) target_semaphore(%run_scoped3A : memref<!tpu.dma_semaphore, #tpu.memory_space<semaphore_mem>>)
        %dma_wait3A_304 = arith.constant 0 : i32
        %dma_wait3A_305 = tpu.memref_slice %arg7[%dma_wait3A_304] : memref<16384xf32, #tpu.memory_space<vmem>> -> memref<10240xf32, #tpu.memory_space<vmem>>
        %dma_wait3A_306 = arith.constant 6389760 : i32
        %dma_wait3A_307 = tpu.memref_slice %arg2[%dma_wait3A_306] : memref<6400000xf32, #tpu.memory_space<hbm>> -> memref<10240xf32, #tpu.memory_space<hbm>>
        %dma_wait3A_308 = arith.constant 0 : i32
        %dma_wait3A_309 = tpu.memref_slice %arg7[%dma_wait3A_308] : memref<16384xf32, #tpu.memory_space<vmem>> -> memref<10240xf32, #tpu.memory_space<vmem>>
        %dma_wait3A_310 = arith.constant 6389760 : i32
        %dma_wait3A_311 = tpu.memref_slice %arg2[%dma_wait3A_310] : memref<6400000xf32, #tpu.memory_space<hbm>> -> memref<10240xf32, #tpu.memory_space<hbm>>
        tpu.wait_dma2 semaphore(%run_scoped3A : memref<!tpu.dma_semaphore, #tpu.memory_space<semaphore_mem>>) src(%dma_wait3A_311 : memref<10240xf32, #tpu.memory_space<hbm>>) dst(%dma_wait3A_309 : memref<10240xf32, #tpu.memory_space<vmem>>)
        tpu.yield
      }) : () -> ()
      "tpu.region"() ({
        %run_scoped3A = tpu.sem_alloc : memref<!tpu.dma_semaphore, #tpu.memory_space<semaphore_mem>>
        %dma_start3A_296 = arith.constant 0 : i32
        %dma_start3A_297 = tpu.memref_slice %arg9[%dma_start3A_296] : memref<16384xi32, #tpu.memory_space<vmem>> -> memref<10240xi32, #tpu.memory_space<vmem>>
        %dma_start3A_298 = arith.constant 6389760 : i32
        %dma_start3A_299 = tpu.memref_slice %arg3[%dma_start3A_298] : memref<6400000xi32, #tpu.memory_space<hbm>> -> memref<10240xi32, #tpu.memory_space<hbm>>
        %dma_start3A_300 = arith.constant 0 : i32
        %dma_start3A_301 = tpu.memref_slice %arg9[%dma_start3A_300] : memref<16384xi32, #tpu.memory_space<vmem>> -> memref<10240xi32, #tpu.memory_space<vmem>>
        %dma_start3A_302 = arith.constant 6389760 : i32
        %dma_start3A_303 = tpu.memref_slice %arg3[%dma_start3A_302] : memref<6400000xi32, #tpu.memory_space<hbm>> -> memref<10240xi32, #tpu.memory_space<hbm>>
        tpu.enqueue_dma source(%dma_start3A_303 : memref<10240xi32, #tpu.memory_space<hbm>>) target(%dma_start3A_301 : memref<10240xi32, #tpu.memory_space<vmem>>) target_semaphore(%run_scoped3A : memref<!tpu.dma_semaphore, #tpu.memory_space<semaphore_mem>>)
        %dma_wait3A_304 = arith.constant 0 : i32
        %dma_wait3A_305 = tpu.memref_slice %arg9[%dma_wait3A_304] : memref<16384xi32, #tpu.memory_space<vmem>> -> memref<10240xi32, #tpu.memory_space<vmem>>
        %dma_wait3A_306 = arith.constant 6389760 : i32
        %dma_wait3A_307 = tpu.memref_slice %arg3[%dma_wait3A_306] : memref<6400000xi32, #tpu.memory_space<hbm>> -> memref<10240xi32, #tpu.memory_space<hbm>>
        %dma_wait3A_308 = arith.constant 0 : i32
        %dma_wait3A_309 = tpu.memref_slice %arg9[%dma_wait3A_308] : memref<16384xi32, #tpu.memory_space<vmem>> -> memref<10240xi32, #tpu.memory_space<vmem>>
        %dma_wait3A_310 = arith.constant 6389760 : i32
        %dma_wait3A_311 = tpu.memref_slice %arg3[%dma_wait3A_310] : memref<6400000xi32, #tpu.memory_space<hbm>> -> memref<10240xi32, #tpu.memory_space<hbm>>
        tpu.wait_dma2 semaphore(%run_scoped3A : memref<!tpu.dma_semaphore, #tpu.memory_space<semaphore_mem>>) src(%dma_wait3A_311 : memref<10240xi32, #tpu.memory_space<hbm>>) dst(%dma_wait3A_309 : memref<10240xi32, #tpu.memory_space<vmem>>)
        tpu.yield
      }) : () -> ()
      %parallel_loop3A_293 = arith.constant 0 : i32
      %parallel_loop3A_294 = arith.constant 640 : i32
      %parallel_loop3A_295 = arith.constant 1 : i32
      scf.for %parallel_loop3A_296 = %parallel_loop3A_293 to %parallel_loop3A_294 step %parallel_loop3A_295  : i32 {
        %parallel_loop3A_297 = arith.constant 16 : i32
        %parallel_loop3A_298 = arith.muli %parallel_loop3A_296, %parallel_loop3A_297 : i32
        %parallel_loop3A_299 = arith.index_cast %parallel_loop3A_298 : i32 to index
        %parallel_loop3A_300 = tpu.vector_load %arg9[%parallel_loop3A_299] {strides = array<i32>} : memref<16384xi32, #tpu.memory_space<vmem>>, vector<16xi32>,
        %parallel_loop3A_301 = arith.index_cast %parallel_loop3A_298 : i32 to index
        %parallel_loop3A_302 = tpu.vector_load %arg7[%parallel_loop3A_301] {strides = array<i32>} : memref<16384xf32, #tpu.memory_space<vmem>>, vector<16xf32>,
        %parallel_loop3A_303 = vector.broadcast %mul3A_3 : i32 to vector<16xi32>
        %parallel_loop3A_304 = arith.subi %parallel_loop3A_300, %parallel_loop3A_303 : vector<16xi32>
        %parallel_loop3A_305 = arith.constant 0 : i32
        %parallel_loop3A_306 = vector.broadcast %parallel_loop3A_305 : i32 to vector<16xi32>
        %parallel_loop3A_307 = arith.cmpi sge, %parallel_loop3A_304, %parallel_loop3A_306 : vector<16xi32>
        %parallel_loop3A_308 = vector.broadcast %select_n3A : i32 to vector<16xi32>
        %parallel_loop3A_309 = arith.cmpi slt, %parallel_loop3A_304, %parallel_loop3A_308 : vector<16xi32>
        %parallel_loop3A_310 = arith.andi %parallel_loop3A_307, %parallel_loop3A_309 : vector<16xi1>
        %parallel_loop3A_311 = arith.constant 3136 : i32
        %parallel_loop3A_312 = vector.broadcast %parallel_loop3A_311 : i32 to vector<16xi32>
        %parallel_loop3A_313 = arith.select %parallel_loop3A_310, %parallel_loop3A_304, %parallel_loop3A_312 : vector<16xi1>, vector<16xi32>
        %parallel_loop3A_314 = arith.addi %parallel_loop3A_313, %mul3A_241 : vector<16xi32>
        tpu.vector_store_idx %arg5[%parallel_loop3A_314], %parallel_loop3A_302 {add = true} : memref<50192xf32, #tpu.memory_space<vmem>>[vector<16xi32>], vector<16xf32>,
      } {sc.loop_unroll_factor = 8 : i64, sc.parallel_access}
    } else {
    }
    %parallel_loop3A_280 = arith.constant 0 : i32
    %parallel_loop3A_281 = arith.constant 196 : i32
    %parallel_loop3A_282 = arith.constant 1 : i32
    scf.for %parallel_loop3A_293 = %parallel_loop3A_280 to %parallel_loop3A_281 step %parallel_loop3A_282  : i32 {
      %parallel_loop3A_294 = arith.constant 16 : i32
      %parallel_loop3A_295 = arith.muli %parallel_loop3A_293, %parallel_loop3A_294 : i32
      %parallel_loop3A_296 = vector.broadcast %parallel_loop3A_295 : i32 to vector<16xi32>
      %parallel_loop3A_297 = arith.addi %parallel_loop3A_296, %iota3A : vector<16xi32>
      %parallel_loop3A_298 = arith.constant 0 : i32
      %parallel_loop3A_299 = vector.broadcast %parallel_loop3A_298 : i32 to vector<16xi32>
      %parallel_loop3A_300 = arith.addi %parallel_loop3A_297, %parallel_loop3A_299 : vector<16xi32>
      %parallel_loop3A_301 = tpu.vector_load_idx %arg5[%parallel_loop3A_300] : memref<50192xf32, #tpu.memory_space<vmem>>[vector<16xi32>], vector<16xf32>,
      %parallel_loop3A_302 = arith.constant 3137 : i32
      %parallel_loop3A_303 = vector.broadcast %parallel_loop3A_302 : i32 to vector<16xi32>
      %parallel_loop3A_304 = arith.addi %parallel_loop3A_297, %parallel_loop3A_303 : vector<16xi32>
      %parallel_loop3A_305 = tpu.vector_load_idx %arg5[%parallel_loop3A_304] : memref<50192xf32, #tpu.memory_space<vmem>>[vector<16xi32>], vector<16xf32>,
      %parallel_loop3A_306 = arith.constant 6274 : i32
      %parallel_loop3A_307 = vector.broadcast %parallel_loop3A_306 : i32 to vector<16xi32>
      %parallel_loop3A_308 = arith.addi %parallel_loop3A_297, %parallel_loop3A_307 : vector<16xi32>
      %parallel_loop3A_309 = tpu.vector_load_idx %arg5[%parallel_loop3A_308] : memref<50192xf32, #tpu.memory_space<vmem>>[vector<16xi32>], vector<16xf32>,
      %parallel_loop3A_310 = arith.constant 9411 : i32
      %parallel_loop3A_311 = vector.broadcast %parallel_loop3A_310 : i32 to vector<16xi32>
      %parallel_loop3A_312 = arith.addi %parallel_loop3A_297, %parallel_loop3A_311 : vector<16xi32>
      %parallel_loop3A_313 = tpu.vector_load_idx %arg5[%parallel_loop3A_312] : memref<50192xf32, #tpu.memory_space<vmem>>[vector<16xi32>], vector<16xf32>,
      %parallel_loop3A_314 = arith.constant 12548 : i32
      %parallel_loop3A_315 = vector.broadcast %parallel_loop3A_314 : i32 to vector<16xi32>
      %parallel_loop3A_316 = arith.addi %parallel_loop3A_297, %parallel_loop3A_315 : vector<16xi32>
      %parallel_loop3A_317 = tpu.vector_load_idx %arg5[%parallel_loop3A_316] : memref<50192xf32, #tpu.memory_space<vmem>>[vector<16xi32>], vector<16xf32>,
      %parallel_loop3A_318 = arith.constant 15685 : i32
      %parallel_loop3A_319 = vector.broadcast %parallel_loop3A_318 : i32 to vector<16xi32>
      %parallel_loop3A_320 = arith.addi %parallel_loop3A_297, %parallel_loop3A_319 : vector<16xi32>
      %parallel_loop3A_321 = tpu.vector_load_idx %arg5[%parallel_loop3A_320] : memref<50192xf32, #tpu.memory_space<vmem>>[vector<16xi32>], vector<16xf32>,
      %parallel_loop3A_322 = arith.constant 18822 : i32
      %parallel_loop3A_323 = vector.broadcast %parallel_loop3A_322 : i32 to vector<16xi32>
      %parallel_loop3A_324 = arith.addi %parallel_loop3A_297, %parallel_loop3A_323 : vector<16xi32>
      %parallel_loop3A_325 = tpu.vector_load_idx %arg5[%parallel_loop3A_324] : memref<50192xf32, #tpu.memory_space<vmem>>[vector<16xi32>], vector<16xf32>,
      %parallel_loop3A_326 = arith.constant 21959 : i32
      %parallel_loop3A_327 = vector.broadcast %parallel_loop3A_326 : i32 to vector<16xi32>
      %parallel_loop3A_328 = arith.addi %parallel_loop3A_297, %parallel_loop3A_327 : vector<16xi32>
      %parallel_loop3A_329 = tpu.vector_load_idx %arg5[%parallel_loop3A_328] : memref<50192xf32, #tpu.memory_space<vmem>>[vector<16xi32>], vector<16xf32>,
      %parallel_loop3A_330 = arith.constant 25096 : i32
      %parallel_loop3A_331 = vector.broadcast %parallel_loop3A_330 : i32 to vector<16xi32>
      %parallel_loop3A_332 = arith.addi %parallel_loop3A_297, %parallel_loop3A_331 : vector<16xi32>
      %parallel_loop3A_333 = tpu.vector_load_idx %arg5[%parallel_loop3A_332] : memref<50192xf32, #tpu.memory_space<vmem>>[vector<16xi32>], vector<16xf32>,
      %parallel_loop3A_334 = arith.constant 28233 : i32
      %parallel_loop3A_335 = vector.broadcast %parallel_loop3A_334 : i32 to vector<16xi32>
      %parallel_loop3A_336 = arith.addi %parallel_loop3A_297, %parallel_loop3A_335 : vector<16xi32>
      %parallel_loop3A_337 = tpu.vector_load_idx %arg5[%parallel_loop3A_336] : memref<50192xf32, #tpu.memory_space<vmem>>[vector<16xi32>], vector<16xf32>,
      %parallel_loop3A_338 = arith.constant 31370 : i32
      %parallel_loop3A_339 = vector.broadcast %parallel_loop3A_338 : i32 to vector<16xi32>
      %parallel_loop3A_340 = arith.addi %parallel_loop3A_297, %parallel_loop3A_339 : vector<16xi32>
      %parallel_loop3A_341 = tpu.vector_load_idx %arg5[%parallel_loop3A_340] : memref<50192xf32, #tpu.memory_space<vmem>>[vector<16xi32>], vector<16xf32>,
      %parallel_loop3A_342 = arith.constant 34507 : i32
      %parallel_loop3A_343 = vector.broadcast %parallel_loop3A_342 : i32 to vector<16xi32>
      %parallel_loop3A_344 = arith.addi %parallel_loop3A_297, %parallel_loop3A_343 : vector<16xi32>
      %parallel_loop3A_345 = tpu.vector_load_idx %arg5[%parallel_loop3A_344] : memref<50192xf32, #tpu.memory_space<vmem>>[vector<16xi32>], vector<16xf32>,
      %parallel_loop3A_346 = arith.constant 37644 : i32
      %parallel_loop3A_347 = vector.broadcast %parallel_loop3A_346 : i32 to vector<16xi32>
      %parallel_loop3A_348 = arith.addi %parallel_loop3A_297, %parallel_loop3A_347 : vector<16xi32>
      %parallel_loop3A_349 = tpu.vector_load_idx %arg5[%parallel_loop3A_348] : memref<50192xf32, #tpu.memory_space<vmem>>[vector<16xi32>], vector<16xf32>,
      %parallel_loop3A_350 = arith.constant 40781 : i32
      %parallel_loop3A_351 = vector.broadcast %parallel_loop3A_350 : i32 to vector<16xi32>
      %parallel_loop3A_352 = arith.addi %parallel_loop3A_297, %parallel_loop3A_351 : vector<16xi32>
      %parallel_loop3A_353 = tpu.vector_load_idx %arg5[%parallel_loop3A_352] : memref<50192xf32, #tpu.memory_space<vmem>>[vector<16xi32>], vector<16xf32>,
      %parallel_loop3A_354 = arith.constant 43918 : i32
      %parallel_loop3A_355 = vector.broadcast %parallel_loop3A_354 : i32 to vector<16xi32>
      %parallel_loop3A_356 = arith.addi %parallel_loop3A_297, %parallel_loop3A_355 : vector<16xi32>
      %parallel_loop3A_357 = tpu.vector_load_idx %arg5[%parallel_loop3A_356] : memref<50192xf32, #tpu.memory_space<vmem>>[vector<16xi32>], vector<16xf32>,
      %parallel_loop3A_358 = arith.constant 47055 : i32
      %parallel_loop3A_359 = vector.broadcast %parallel_loop3A_358 : i32 to vector<16xi32>
      %parallel_loop3A_360 = arith.addi %parallel_loop3A_297, %parallel_loop3A_359 : vector<16xi32>
      %parallel_loop3A_361 = tpu.vector_load_idx %arg5[%parallel_loop3A_360] : memref<50192xf32, #tpu.memory_space<vmem>>[vector<16xi32>], vector<16xf32>,
      %parallel_loop3A_362 = arith.addf %parallel_loop3A_301, %parallel_loop3A_305 : vector<16xf32>
      %parallel_loop3A_363 = arith.addf %parallel_loop3A_309, %parallel_loop3A_313 : vector<16xf32>
      %parallel_loop3A_364 = arith.addf %parallel_loop3A_317, %parallel_loop3A_321 : vector<16xf32>
      %parallel_loop3A_365 = arith.addf %parallel_loop3A_325, %parallel_loop3A_329 : vector<16xf32>
      %parallel_loop3A_366 = arith.addf %parallel_loop3A_333, %parallel_loop3A_337 : vector<16xf32>
      %parallel_loop3A_367 = arith.addf %parallel_loop3A_341, %parallel_loop3A_345 : vector<16xf32>
      %parallel_loop3A_368 = arith.addf %parallel_loop3A_349, %parallel_loop3A_353 : vector<16xf32>
      %parallel_loop3A_369 = arith.addf %parallel_loop3A_357, %parallel_loop3A_361 : vector<16xf32>
      %parallel_loop3A_370 = arith.addf %parallel_loop3A_362, %parallel_loop3A_363 : vector<16xf32>
      %parallel_loop3A_371 = arith.addf %parallel_loop3A_364, %parallel_loop3A_365 : vector<16xf32>
      %parallel_loop3A_372 = arith.addf %parallel_loop3A_366, %parallel_loop3A_367 : vector<16xf32>
      %parallel_loop3A_373 = arith.addf %parallel_loop3A_368, %parallel_loop3A_369 : vector<16xf32>
      %parallel_loop3A_374 = arith.addf %parallel_loop3A_370, %parallel_loop3A_371 : vector<16xf32>
      %parallel_loop3A_375 = arith.addf %parallel_loop3A_372, %parallel_loop3A_373 : vector<16xf32>
      %parallel_loop3A_376 = arith.addf %parallel_loop3A_374, %parallel_loop3A_375 : vector<16xf32>
      %parallel_loop3A_377 = arith.constant 16 : i32
      %parallel_loop3A_378 = arith.muli %parallel_loop3A_293, %parallel_loop3A_377 : i32
      %parallel_loop3A_379 = arith.index_cast %parallel_loop3A_378 : i32 to index
      %parallel_loop3A_380 = tpu.vector_load %arg6[%parallel_loop3A_379] {strides = array<i32>} : memref<3136xf32, #tpu.memory_space<vmem>>, vector<16xf32>,
      tpu.vector_store %arg6[%parallel_loop3A_379], %parallel_loop3A_376 {strides = array<i32>} : memref<3136xf32, #tpu.memory_space<vmem>>, vector<16xf32>,
    } {sc.loop_unroll_factor = 2 : i64, sc.parallel_access}
    %lt3A_283 = arith.constant 31 : i32
    %lt3A_284 = arith.cmpi slt, %add3A, %lt3A_283 : i32
    %convert_element_type3A_285 = arith.extui %lt3A_284 : i1 to i32
    %cond3A_286 = arith.constant 0 : i32
    %cond3A_287 = arith.cmpi ne, %convert_element_type3A_285, %cond3A_286 : i32
    scf.if %cond3A_287 {
      "tpu.region"() ({
        %run_scoped3A = tpu.sem_alloc : memref<!tpu.dma_semaphore, #tpu.memory_space<semaphore_mem>>
        %dma_start3A_293 = arith.constant 0 : i32
        %dma_start3A_294 = tpu.memref_slice %arg6[%dma_start3A_293] : memref<3136xf32, #tpu.memory_space<vmem>> -> memref<3128xf32, #tpu.memory_space<vmem>>
        %dma_start3A_295 = tpu.memref_slice %arg4[%mul3A_3] : memref<100000xf32, #tpu.memory_space<hbm>> -> memref<3128xf32, #tpu.memory_space<hbm>>
        %dma_start3A_296 = tpu.memref_slice %arg4[%mul3A_3] : memref<100000xf32, #tpu.memory_space<hbm>> -> memref<3128xf32, #tpu.memory_space<hbm>>
        %dma_start3A_297 = arith.constant 0 : i32
        %dma_start3A_298 = tpu.memref_slice %arg6[%dma_start3A_297] : memref<3136xf32, #tpu.memory_space<vmem>> -> memref<3128xf32, #tpu.memory_space<vmem>>
        tpu.enqueue_dma source(%dma_start3A_298 : memref<3128xf32, #tpu.memory_space<vmem>>) target(%dma_start3A_296 : memref<3128xf32, #tpu.memory_space<hbm>>) target_semaphore(%run_scoped3A : memref<!tpu.dma_semaphore, #tpu.memory_space<semaphore_mem>>)
        %dma_wait3A_299 = arith.constant 0 : i32
        %dma_wait3A_300 = tpu.memref_slice %arg6[%dma_wait3A_299] : memref<3136xf32, #tpu.memory_space<vmem>> -> memref<3128xf32, #tpu.memory_space<vmem>>
        %dma_wait3A_301 = tpu.memref_slice %arg4[%mul3A_3] : memref<100000xf32, #tpu.memory_space<hbm>> -> memref<3128xf32, #tpu.memory_space<hbm>>
        %dma_wait3A_302 = tpu.memref_slice %arg4[%mul3A_3] : memref<100000xf32, #tpu.memory_space<hbm>> -> memref<3128xf32, #tpu.memory_space<hbm>>
        %dma_wait3A_303 = arith.constant 0 : i32
        %dma_wait3A_304 = tpu.memref_slice %arg6[%dma_wait3A_303] : memref<3136xf32, #tpu.memory_space<vmem>> -> memref<3128xf32, #tpu.memory_space<vmem>>
        tpu.wait_dma2 semaphore(%run_scoped3A : memref<!tpu.dma_semaphore, #tpu.memory_space<semaphore_mem>>) src(%dma_wait3A_304 : memref<3128xf32, #tpu.memory_space<vmem>>) dst(%dma_wait3A_302 : memref<3128xf32, #tpu.memory_space<hbm>>)
        tpu.yield
      }) : () -> ()
    } else {
    }
    %eq3A_288 = arith.constant 31 : i32
    %eq3A_289 = arith.cmpi eq, %add3A, %eq3A_288 : i32
    %convert_element_type3A_290 = arith.extui %eq3A_289 : i1 to i32
    %cond3A_291 = arith.constant 0 : i32
    %cond3A_292 = arith.cmpi ne, %convert_element_type3A_290, %cond3A_291 : i32
    scf.if %cond3A_292 {
      "tpu.region"() ({
        %run_scoped3A = tpu.sem_alloc : memref<!tpu.dma_semaphore, #tpu.memory_space<semaphore_mem>>
        %dma_start3A_293 = arith.constant 0 : i32
        %dma_start3A_294 = tpu.memref_slice %arg6[%dma_start3A_293] : memref<3136xf32, #tpu.memory_space<vmem>> -> memref<3032xf32, #tpu.memory_space<vmem>>
        %dma_start3A_295 = arith.constant 96968 : i32
        %dma_start3A_296 = tpu.memref_slice %arg4[%dma_start3A_295] : memref<100000xf32, #tpu.memory_space<hbm>> -> memref<3032xf32, #tpu.memory_space<hbm>>
        %dma_start3A_297 = arith.constant 96968 : i32
        %dma_start3A_298 = tpu.memref_slice %arg4[%dma_start3A_297] : memref<100000xf32, #tpu.memory_space<hbm>> -> memref<3032xf32, #tpu.memory_space<hbm>>
        %dma_start3A_299 = arith.constant 0 : i32
        %dma_start3A_300 = tpu.memref_slice %arg6[%dma_start3A_299] : memref<3136xf32, #tpu.memory_space<vmem>> -> memref<3032xf32, #tpu.memory_space<vmem>>
        tpu.enqueue_dma source(%dma_start3A_300 : memref<3032xf32, #tpu.memory_space<vmem>>) target(%dma_start3A_298 : memref<3032xf32, #tpu.memory_space<hbm>>) target_semaphore(%run_scoped3A : memref<!tpu.dma_semaphore, #tpu.memory_space<semaphore_mem>>)
        %dma_wait3A_301 = arith.constant 0 : i32
        %dma_wait3A_302 = tpu.memref_slice %arg6[%dma_wait3A_301] : memref<3136xf32, #tpu.memory_space<vmem>> -> memref<3032xf32, #tpu.memory_space<vmem>>
        %dma_wait3A_303 = arith.constant 96968 : i32
        %dma_wait3A_304 = tpu.memref_slice %arg4[%dma_wait3A_303] : memref<100000xf32, #tpu.memory_space<hbm>> -> memref<3032xf32, #tpu.memory_space<hbm>>
        %dma_wait3A_305 = arith.constant 96968 : i32
        %dma_wait3A_306 = tpu.memref_slice %arg4[%dma_wait3A_305] : memref<100000xf32, #tpu.memory_space<hbm>> -> memref<3032xf32, #tpu.memory_space<hbm>>
        %dma_wait3A_307 = arith.constant 0 : i32
        %dma_wait3A_308 = tpu.memref_slice %arg6[%dma_wait3A_307] : memref<3136xf32, #tpu.memory_space<vmem>> -> memref<3032xf32, #tpu.memory_space<vmem>>
        tpu.wait_dma2 semaphore(%run_scoped3A : memref<!tpu.dma_semaphore, #tpu.memory_space<semaphore_mem>>) src(%dma_wait3A_308 : memref<3032xf32, #tpu.memory_space<vmem>>) dst(%dma_wait3A_306 : memref<3032xf32, #tpu.memory_space<hbm>>)
        tpu.yield
      }) : () -> ()
    } else {
    }
    return
  }
}

</mosaic_0001>

<sc_bundles>
// kernel: kernel.3.cloned.1.call-start
scs
__scs_entry_jumppad:
0x0: {  	(pc) =	sbr.rel $0x88, $3  }
0x1: {  	(tag) =	ssettag $0x0;
	lr =	simm.s32 $0x1  }
0x2: {  	[smem:$0x3F9F] =	sst lr;
	_ =	strace $0xD0000000  }
0x3: {  	_ = 	snop  }
0x4: {  	_ = 	snop  }
0x5: {  	_ = 	snop  }
0x6: {  	_ = 	snop  }
0x7: {  	_ = 	snop  }
__scs_overlays_trampoline_lowered:
0x8: {  	[smem:$0x3FAE] =	sst s0  }
0x9: {  	[smem:$0x3FAF] =	sst s1  }
0xa: {  	[smem:$0x3FB0] =	sst s2  }
0xb: {  	[smem:$0x3FB1] =	sst s3  }
0xc: {  	[smem:$0x3FB2] =	sst s4  }
0xd: {  	[smem:$0x3FB3] =	sst s5  }
0xe: {  	[smem:$0x3FB4] =	sst s6  }
0xf: {  	[smem:$0x3FB5] =	sst s7  }
0x10: {  	[smem:$0x3FB6] =	sst s8  }
0x11: {  	[smem:$0x3FB7] =	sst s9;
	s0 =	simm.s32 @!p0 $0x0  }
0x12: {  	s1 =	sld [smem:$0x3F9D];
	s0 =	simm.s32 @p0 $0x1  }
0x13: {  	[smem:$0x3FB8] =	sst s0;
	s0 =	simm.s32 @!p1 $0x0  }
0x14: {  	s2 =	sld [smem:$0x3F9C];
	s0 =	simm.s32 @p1 $0x1  }
0x15: {  	[smem:$0x3FB9] =	sst s0;
	s0 =	simm.s32 @!p2 $0x0  }
0x16: {  	s3 =	sld [smem:$0x3FDB];
	s0 =	simm.s32 @p2 $0x1  }
0x17: {  	s4 =	simm.s32 $0x1BF5;
	[smem:$0x3FBB] =	sst s0  }
0x18: {  	s0 =	sld [smem:$0x3F9E];
	_ =	swait.ge [sflag:s4], $0x0  }
0x19: {  	s7 =	sld [smem:$0x3F9F]  }
0x1a: {  	s8 =	sadd.s32 $0xFFFFE003, lr  }
0x1b: {  	s9 =	sadd.s32 $0xFFFFFEF7, lr;
	s5 =	simm.s32 $0xFFFFFFFF;
	p2 =	slt.u32 s8, $0xFFFFF086  }
0x1c: {  	p1 =	slt.u32 s9, $0xF7A;
	s5 =	simm.s32 @!p2 $0x0  }
0x1d: {  	s5 =	simm.s32 @p1 $0x1;
	p0 =	seq.s32 s7, s2  }
0x1e: {  	s7 =	smul.u32 @!p0 $0xF7A, s2;
	p2 =	seq.s32 @!p0 s5, $0x0  }
0x1f: {  	s9 =	smul.u32 $0xF7A, s1;
	s8 =	simm.s32 @!p0 $0x1BF5;
	p2 =	por !p2, p0  }
0x20: {  	[sflag:s8] =	ssyncset.s32 @!p0 $0xFFFFF086;
	s6 =	sadd.s32 @!p0 s3, s7;
	s7 =	simm.s32 @!p0 $0x108  }
0x21: {  	s3 =	sadd.s32 s3, s9;
	s6 =	sadd.s32 @!p0 $0x88, s6;
	s7 =	simm.s32 @p2 $0x1082  }
0x22: {  	[simem:s7], [sflag:s8] =	dma.local @!p0 [hbm:s6], $0xF7A  }
0x23: {  	s9 =	sor.u32 $0xD0000000, s2;
	s6 =	simm.s32 $0x108;
	_ =	swait.ge @!p0 [sflag:s8], $0x0  }
0x24: {  	s3 =	sadd.s32 $0x88, s3;
	s6 =	simm.s32 @!p1 $0x1082;
	[sflag:s4] =	ssyncset.s32 $0xFFFFF086  }
0x25: {  	[simem:s6], [sflag:s4] =	dma.local [hbm:s3], $0xF7A  }
0x26: {  	[smem:$0x3F9F] =	sst s1;
	(tag) =	ssettag s2;
	_ =	strace s9  }
0x27: {  	s1 =	sld [smem:$0x3FAF]  }
0x28: {  	s2 =	sld [smem:$0x3FB0]  }
0x29: {  	s4 =	sld [smem:$0x3FB2]  }
0x2a: {  	p0 =	seq.s32 s5, $0x0;
	s5 =	sld [smem:$0x3FB3]  }
0x2b: {  	s6 =	sld [smem:$0x3FB4]  }
0x2c: {  	s7 =	sld [smem:$0x3FB5]  }
0x2d: {  	s3 =	simm.s32 $0x108;
	s8 =	sld [smem:$0x3FB6]  }
0x2e: {  	s3 =	simm.s32 @!p0 $0x1082;
	s9 =	sld [smem:$0x3FB7]  }
0x2f: {  	lr =	sadd.s32 s0, s3;
	s0 =	sld [smem:$0x3FAE]  }
0x30: {  	s3 =	sld [smem:$0x3FB1]  }
0x31: {  	[smem:$0x3FBA] =	sst s10  }
0x32: {  	s10 =	sld [smem:$0x3FB8];
	_ =	sdelay $0x3  }
0x33: {  	p0 =	seq.s32 s10, $0x1;
	s10 =	sld [smem:$0x3FBA];
	_ =	sdelay $0x3  }
0x34: {  	[smem:$0x3FBA] =	sst s10  }
0x35: {  	s10 =	sld [smem:$0x3FB9];
	_ =	sdelay $0x3  }
0x36: {  	p1 =	seq.s32 s10, $0x1;
	s10 =	sld [smem:$0x3FBA];
	_ =	sdelay $0x3  }
0x37: {  	[smem:$0x3FBA] =	sst s10  }
0x38: {  	s10 =	sld [smem:$0x3FBB]  }
0x39: {  	_ = 	snop;
	(pc) =	sbr.ind lr, $3  }
0x3a: {  	_ = 	snop  }
0x3b: {  	_ = 	snop  }
0x3c: {  	p2 =	seq.s32 s10, $0x1;
	s10 =	sld [smem:$0x3FBA]  }
0x3d: {  	_ =	shalt  }
0x3e: {  	_ =	shalt  }
0x3f: {  	_ =	shalt  }
0x40: {  	_ =	shalt  }
0x41: {  	_ =	shalt  }
0x42: {  	_ =	shalt  }
0x43: {  	_ =	shalt  }
0x44: {  	_ =	shalt  }
0x45: {  	_ =	shalt  }
0x46: {  	_ =	shalt  }
0x47: {  	_ =	shalt  }
0x48: {  	_ =	shalt  }
0x49: {  	_ =	shalt  }
0x4a: {  	_ =	shalt  }
0x4b: {  	_ =	shalt  }
0x4c: {  	_ =	shalt  }
0x4d: {  	_ =	shalt  }
0x4e: {  	_ =	shalt  }
0x4f: {  	_ =	shalt  }
0x50: {  	_ =	shalt  }
0x51: {  	_ =	shalt  }
0x52: {  	_ =	shalt  }
0x53: {  	_ =	shalt  }
0x54: {  	_ =	shalt  }
0x55: {  	_ =	shalt  }
0x56: {  	_ =	shalt  }
0x57: {  	_ =	shalt  }
0x58: {  	_ =	shalt  }
0x59: {  	_ =	shalt  }
0x5a: {  	_ =	shalt  }
0x5b: {  	_ =	shalt  }
0x5c: {  	_ =	shalt  }
0x5d: {  	_ =	shalt  }
0x5e: {  	_ =	shalt  }
0x5f: {  	_ =	shalt  }
0x60: {  	_ =	shalt  }
0x61: {  	_ =	shalt  }
0x62: {  	_ =	shalt  }
0x63: {  	_ =	shalt  }
0x64: {  	_ =	shalt  }
0x65: {  	_ =	shalt  }
0x66: {  	_ =	shalt  }
0x67: {  	_ =	shalt  }
0x68: {  	_ =	shalt  }
0x69: {  	_ =	shalt  }
0x6a: {  	_ =	shalt  }
0x6b: {  	_ =	shalt  }
0x6c: {  	_ =	shalt  }
0x6d: {  	_ =	shalt  }
0x6e: {  	_ =	shalt  }
0x6f: {  	_ =	shalt  }
0x70: {  	_ =	shalt  }
0x71: {  	_ =	shalt  }
0x72: {  	_ =	shalt  }
0x73: {  	_ =	shalt  }
0x74: {  	_ =	shalt  }
0x75: {  	_ =	shalt  }
0x76: {  	_ =	shalt  }
0x77: {  	_ =	shalt  }
0x78: {  	_ =	shalt  }
0x79: {  	_ =	shalt  }
0x7a: {  	_ =	shalt  }
0x7b: {  	_ =	shalt  }
0x7c: {  	_ =	shalt  }
0x7d: {  	_ =	shalt  }
0x7e: {  	_ =	shalt  }
0x7f: {  	_ =	shalt  }
0x80: {  	_ =	shalt  }
0x81: {  	_ =	shalt  }
0x82: {  	_ =	shalt  }
0x83: {  	_ =	shalt  }
0x84: {  	_ =	shalt  }
0x85: {  	_ =	shalt  }
0x86: {  	_ =	shalt  }
0x87: {  	_ =	shalt  }
.Lfunc_end0:
.L_simem_size_0:
called_computation_lowered:
.L_overlay_start_0:
0x88: {  	s2 =	sld [smem:$0x3FD9]  }
0x89: {  	s3 =	sld [smem:$0x3FFE];
	_ =	sdelay $0x1  }
0x8a: {  	s1 =	srdreg.scid  }
0x8b: {  	s0 =	sand.u32 $0x1, s1  }
0x8c: {  	s18 =	sshll.u32 s0, $0xA;
	s2 =	sadd.s32 s3, s2  }
0x8d: {  	s2 =	sadd.s32 s2, s18  }
0x8e: {  	[smem:$0x3FC6] =	sst s2  }
0x8f: {  	_ = 	snop  }
0x90: {  	s2 =	sld [smem:$0x3FC9]  }
0x91: {  	s19 =	sld [smem:$0x3FC8]  }
0x92: {  	s4 =	sld [smem:$0x3FD0];
	(tm) =	ssettm $0x1  }
0x93: {  	s5 =	sld [smem:$0x3FFB];
	_ =	sdelay $0x3  }
0x94: {  	_ =	strace s5  }
0x95: {  	s5 =	sld [smem:$0x3FFC];
	_ =	sdelay $0x3  }
0x96: {  	_ =	strace s5  }
0x97: {  	s5 =	sld [smem:$0x3FFD];
	_ =	sdelay $0x3  }
0x98: {  	_ =	strace s5  }
0x99: {  	_ =	strace $0x8FFFFFFF  }
0x9a: {  	s20 =	sld [smem:$0x3FDB];
	_ =	sdelay $0x1  }
0x9b: {  	s6 =	simm.s32 $_scs_section_size  }
0x9c: {  	s7 =	simm.s32 $_size__tile_overlayer_lowered;
	s8 =	simm.s32 $_tile_overlayer_lowered  }
0x9d: {  	s23 =	simm.s32 $0x1BFF;
	s22 =	sshll.u32 s8, $0x1;
	s5 =	sadd.s32 s6, s20  }
0x9e: {  	s9 =	simm.s32 $0x0;
	s21 =	sshll.u32 s7, $0x1;
	s7 =	sadd.s32 s22, s5  }
0x9f: {  	[timem:s9], [sflag:s23] =	dma.local [hbm:s7], s21  }
0xa0: {  	_ =	swait.ge [sflag:s23], s21  }
0xa1: {  	s6 =	ssub.s32 $0x0, s21;
	[sflag:s23] =	ssyncset.done $0x0  }
0xa2: {  	[sflag:s23] =	ssyncadd.s32 s6;
	_ =	sdelay $0x1  }
0xa3: {  	s24 =	simm.s32 $0x1B8B  }
0xa4: {  	_ =	swait.ge [sflag:s24], $0x1  }
0xa5: {  	[sflag:s24] =	ssyncset.done $0x0  }
0xa6: {  	s25 =	simm.s32 $0x1B8E;
	[sflag:s24] =	ssyncadd.s32 $0xFFFFFFFF  }
0xa7: {  	s26 =	simm.s32 $execute0_lowered;
	[smem:$0x3FD2] =	sst s25  }
0xa8: {  	s6 =	sshll.u32 s26, $0x1;
	_ =	strace $0x80000046;
	[dreg:$0x1] =	wrdreg $0xFFFFFFFF  }
0xa9: {  	s28 =	simm.s32 $_size_execute0_lowered;
	s5 =	sadd.s32 s5, s6;
	[dreg:$0x0] =	wrdreg $0x0  }
0xaa: {  	s6 =	sshll.u32 s28, $0x1;
	[dreg:$0x2] =	wrdreg s5  }
0xab: {  	[dreg:$0x3] =	wrdreg s6  }
0xac: {  	[dreg:$0x4] =	wrdreg $0xC0  }
0xad: {  	_ =	task [dreg:s9], $0x5FFFF  }
0xae: {  	[dreg:$0x1] =	wrdreg $0xFFFFFFFF  }
0xaf: {  	[dreg:$0x0] =	wrdreg $0x60  }
0xb0: {  	[dreg:$0x2] =	wrdreg s2  }
0xb1: {  	[dreg:$0x3] =	wrdreg s19  }
0xb2: {  	[dreg:$0x4] =	wrdreg s4  }
0xb3: {  	[dreg:$0x5] =	wrdreg $0x9  }
0xb4: {  	_ =	task.clear_ibuf [dreg:s9], $0x6FFFF;
	_ =	strace $0x90000046  }
0xb5: {  	s29 =	simm.s32 $0x9;
	_ =	strace $0x80000048  }
0xb6: {  	_ =	swait.ge [sflag:s29], $0x1  }
0xb7: {  	[sflag:s29] =	ssyncadd.s32 $0xFFFFFFFF  }
0xb8: {  	_ =	strace $0x90000048  }
0xb9: {  	_ =	sfence  }
0xba: {  	s30 =	sld [smem:$0x0];
	_ =	sdelay $0x2  }
0xbb: {  	s31 =	sshll.u32 s1, $0xD;
	s1 =	sshrl.u32 s1, $0x2  }
0xbc: {  	s3 =	sand.u32 $0x4000, s31;
	s1 =	sadd.s32 s1, s30  }
0xbd: {  	s0 =	sor.u32 s3, s0;
	s1 =	sshll.u32 s1, $0x11  }
0xbe: {  	s0 =	sor.u32 s1, s0  }
0xbf: {  	s0 =	sadd.s32 $0x8F2B, s0  }
0xc0: {  	[sflag:s0] =	ssyncadd.remote.s32 $0x1  }
0xc1: {  	_ =	sfence.sel $0xFFFF  }
0xc2: {  	[dreg:$0x0] =	wrdreg $0xFFFFFFFF;
	(pc) =	sbr.abs _section_cstart, $3  }
0xc3: {  	[dreg:$0x1] =	wrdreg $0xFFFFFFFF  }
0xc4: {  	_ =	task.clear_ibuf [dreg:s9], $0x2FFFF;
	_ =	strace $0x9FFFFFFF  }
0xc5: {  	(tm) =	ssettm $0x7FFFFFFF  }
tec
execute0_lowered:
.L_overlay_start_1:
0x0: {  	(tag) =	ssettag $0x1  }
0x1: {  	v0 =	vimm.s32 $0x61A7FF;
	vm0 =	vcmask $0x300  }
0x2: {  	v0 =	vsel vm0, $0x7FFFF, v0;
	vm0 =	vcmask $0x704  }
0x3: {  	v0 =	vsel vm0, $0xFFFFF, v0;
	vm0 =	vcmask $0xB08  }
0x4: {  	s0 =	srdreg.scid;
	v0 =	vsel vm0, $0x17FFFF, v0;
	vm0 =	vcmask $0xF0C  }
0x5: {  	s0 =	sand.u32 $0x1, s0;
	v0 =	vsel vm0, $0x1FFFFF, v0;
	vm0 =	vcmask $0x1310  }
0x6: {  	s2 =	stileid.u32;
	s1 =	sshll.u32 s0, $0x4;
	v0 =	vsel vm0, $0x27FFFF, v0;
	vm0 =	vcmask $0x1714  }
0x7: {  	v6 =	vimm.f32 $0.0e+00;
	s3 =	sor.u32 s2, s1;
	v0 =	vsel vm0, $0x2FFFFF, v0;
	vm0 =	vcmask $0x1B18  }
0x8: {  	s6 =	simm.s32 $0xBD8;
	vm1 =	vmmov $0xfff;
	p0 =	seq.s32 s3, $0x1F;
	v0 =	vsel vm0, $0x37FFFF, v0;
	vm0 =	vcmask $0x1F1C  }
0x9: {  	vm2 =	vmmov $0x1;
	s8 =	smul.u32 $0xC38, s3;
	s6 =	simm.s32 @!p0 $0xC38;
	v1 =	vsel vm0, $0x3FFFFF, v0;
	vm0 =	vcmask $0x2320  }
0xa: {  	s11 =	rddreg [dreg:$0x2];
	s13 =	simm.s32 $0xD100;
	s14 =	simm.s32 $0x15100;
	v3 =	vmov s6;
	v2 =	vsel vm0, $0x47FFFF, v1;
	vm0 =	vcmask $0x2724  }
0xb: {  	s15 =	simm.s32 $0x1D100;
	s16 =	simm.s32 $0x1D180;
	s17 =	simm.s32 $0x3;
	v0 =	vmov s8;
	v2 =	vsel vm0, $0x4FFFFF, v2;
	vm0 =	vcmask $0x2B28  }
0xc: {  	s18 =	simm.s32 $0x4;
	s19 =	simm.s32 $0x1;
	s4 =	sadd.s32 s8, s6;
	v4 =	vsel vm0, $0x57FFFF, v2;
	vm0 =	vcmask $0x2F2C;
	v2 =	vlaneseq.u32  }
0xd: {  	s22 =	simm.s32 $0x5;
	s23 =	simm.s32 $0x2;
	s0 =	ssub.s32 $0x2, s0;
	v1 =	vmov s4;
	v4 =	vsel vm0, $0x5FFFFF, v4;
	v7 =	vmul.u32 $0x8000, v2  }
0xe: {  	s24 =	simm.s32 $0x0;
	s1 =	rddreg [dreg:$0x0];
	s28 =	sshrl.u32 s0, $0x1;
	vm0 =	vmmov $0xffff;
	v8 =	vmul.u32 $0x800, v2;
	v5 =	vmul.u32 $0xC41, v2  }
0xf: {  	s2 =	rddreg [dreg:$0x1];
	s3 =	smul.u32 $0x30E00, s3;
	s0 =	ssub.s32 s0, s28;
	v10 =	vadd.s32 $0xC41, v2;
	v11 =	vadd.s32 $0x1882, v2;
	v12 =	vadd.s32 $0x24C3, v2  }
0x10: {  	s29 =	sadd.s32 $0xC3000, s1;
	s30 =	sadd.s32 $0xC3000, s2;
	s12 =	smax.u32 s0, $0x1;
	v13 =	vadd.s32 $0x3104, v2;
	v14 =	vadd.s32 $0x3D45, v2;
	v15 =	vadd.s32 $0x4986, v2  }
0x11: {  	s5 =	sand.u32 $0x7FC000, s3;
	s31 =	sshrl.u32 s8, $0x3;
	s4 =	simm.s32 $0x0;
	v16 =	vadd.s32 $0x55C7, v2;
	v17 =	vadd.s32 $0x6208, v2;
	v18 =	vadd.s32 $0x6E49, v2  }
0x12: {  	s7 =	sshrl.u32 s5, $0x3;
	s10 =	sadd.s32 s11, s31;
	[smem:$0x7FF] =	sst s4;
	v19 =	vadd.s32 $0x7A8A, v2;
	v20 =	vadd.s32 $0x86CB, v2;
	v21 =	vadd.s32 $0x930C, v2;
	[tilespmem:$0x1FFF0] =	vst v4  }
0x13: {  	s11 =	sadd.s32 $0x2F59, s11;
	v22 =	vadd.s32 $0x9F4D, v2;
	v23 =	vadd.s32 $0xAB8E, v2;
	v24 =	vadd.s32 $0xB7CF, v2;
	_ =	strace $0x80000047;
	[dreg:$0x4] =	wrdreg s29  }
0x14: {  	s6 =	sadd.s32 s1, s7;
	s7 =	sadd.s32 s2, s7;
	v7 =	vor.u32 $0x7FFF, v7;
	[dreg:$0x5] =	wrdreg s30;
	v8 =	vor.u32 $0x7FF, v8;
	v9 =	vadd.s32 $0xC40, v5  }
.LBB2_1:
0x15: {  	v4 =	vld [tilespmem:$0x1FFF0];
	_ =	sdelay $0x3  }
0x16: {  	[tilespmem:s13], [sflag:$0x1] =	stream.linear.gather [hbm4b:s6+s4], $0x4000, $0x38;
	[tilespmem:$0x1D200] =	vst v63  }
0x17: {  	_ = 	snop  }
0x18: {  	[tilespmem:s14], [sflag:$0x1] =	stream.linear.gather [hbm4b:s7+s4], $0x4000, $0x38;
	[tilespmem:$0x1D200] =	vst v63  }
0x19: {  	_ = 	snop  }
0x1a: {  	[tilespmem:s15], [sflag:$0x3] =	stream.indirect_vreg.gather [hbm4b:s2+s4], $0x1, v4, vm0, $0xb8;
	[tilespmem:$0x1D200] =	vst v63  }
0x1b: {  	s0 =	simm.s32 $0x40  }
0x1c: {  	[tilespmem:s16], [sflag:$0x4] =	stream.indirect_vreg.gather [hbm4b:s2+s4], $0x1, v4, vm0, $0xb8;
	[tilespmem:$0x1D200] =	vst v63  }
0x1d: {  	[tilespmem:s0+$0xFFFFFFC0] =	vst v6  }
0x1e: {  	[tilespmem:s0+$0x30] =	vst v6  }
0x1f: {  	[tilespmem:s0+$0x20] =	vst v6  }
0x20: {  	[tilespmem:s0+$0x10] =	vst v6  }
0x21: {  	[tilespmem:s0+$0x0] =	vst v6  }
0x22: {  	[tilespmem:s0+$0xFFFFFFF0] =	vst v6  }
0x23: {  	s3 =	simm.s32 $0x0;
	[tilespmem:s0+$0xFFFFFFE0] =	vst v6  }
.LBB2_2:
0x24: {  	s3 =	sadd.s32 $0x8, s3;
	[tilespmem:s0+$0xFFFFFFD0] =	vst v6;
	s0 =	sadd.s32 $0x80, s0  }
0x25: {  	[tilespmem:s0+$0xFFFFFFC0] =	vst v6;
	p1 =	slt.u32 s3, $0xC38  }
0x26: {  	[tilespmem:s0+$0x30] =	vst v6  }
.Ltmp0:
0x27: {  	[tilespmem:s0+$0x20] =	vst v6;
	(pc) =	sbr.rel @p1 .LBB2_2-.Ltmp0, $4  }
0x28: {  	[tilespmem:s0+$0x10] =	vst v6  }
0x29: {  	[tilespmem:s0+$0x0] =	vst v6  }
0x2a: {  	[tilespmem:s0+$0xFFFFFFF0] =	vst v6  }
0x2b: {  	[tilespmem:s0+$0xFFFFFFE0] =	vst v6  }
0x2c: {  	[tilespmem:s0+$0xFFFFFFD0] =	vst v6  }
0x2d: {  	[tilespmem:$0xC400] =	vst v6  }
0x2e: {  	_ =	swait.ge [sflag:s17], $0x10  }
0x2f: {  	[sflag:s17] =	ssyncset.done $0x0  }
0x30: {  	[sflag:s17] =	ssyncadd.s32 $0xFFFFFFF0  }
0x31: {  	v25 =	vld [tilespmem:$0x1D100];
	_ =	swait.ge [sflag:s18], $0x10  }
0x32: {  	[sflag:s18] =	ssyncset.done $0x0  }
0x33: {  	[sflag:s18] =	ssyncadd.s32 $0xFFFFFFF0  }
0x34: {  	v26 =	vld [tilespmem:$0x1D180];
	_ =	sdelay $0x2  }
0x35: {  	vm3 =	vlt.s32 v25, v0  }
0x36: {  	vm3 =	vmand vm3, vm1  }
0x37: {  	v25 =	vmpcnt.ones.xlane vm3;
	vm3 =	vlt.s32 v26, v1  }
0x38: {  	vm3 =	vmand vm3, vm1  }
0x39: {  	v25 =	vshll.u32 v25, $0x13;
	v26 =	vmpcnt.ones.xlane vm3  }
0x3a: {  	v27 =	vor.u32 v7, v25  }
0x3b: {  	vm3 =	vlt.s32 v27, $0x61A7FF;
	v26 =	vshll.u32 v26, $0x13  }
0x3c: {  	v28 =	vnsel vm3, $0x61A7FF, v27;
	v29 =	vor.u32 v7, v26  }
0x3d: {  	vm3 =	vlt.s32 v29, $0x61A7FF  }
0x3e: {  	v30 =	vnsel vm3, $0x61A7FF, v29;
	_ =	sdelay $0x2  }
0x3f: {  	[tilespmem:s15], [sflag:$0x3] =	stream.indirect_vreg.gather [hbm4b:s2+s4], $0x1, v28, vm0, $0xb8;
	[tilespmem:$0x1D200] =	vst v63  }
0x40: {  	_ = 	snop  }
0x41: {  	[tilespmem:s16], [sflag:$0x4] =	stream.indirect_vreg.gather [hbm4b:s2+s4], $0x1, v30, vm0, $0xb8;
	[tilespmem:$0x1D200] =	vst v63  }
0x42: {  	_ =	swait.ge [sflag:s17], $0x10  }
0x43: {  	[sflag:s17] =	ssyncset.done $0x0  }
0x44: {  	[sflag:s17] =	ssyncadd.s32 $0xFFFFFFF0  }
0x45: {  	v57 =	vld [tilespmem:$0x1D100];
	_ =	swait.ge [sflag:s18], $0x10  }
0x46: {  	[sflag:s18] =	ssyncset.done $0x0  }
0x47: {  	[sflag:s18] =	ssyncadd.s32 $0xFFFFFFF0  }
0x48: {  	v58 =	vld [tilespmem:$0x1D180];
	_ =	sdelay $0x2  }
0x49: {  	vm4 =	vlt.s32 v27, $0x61A800;
	vm3 =	vlt.s32 v57, v0  }
0x4a: {  	vm3 =	vmand vm4, vm3  }
0x4b: {  	vm13 =	vlt.s32 v29, $0x61A800;
	v27 =	vmpcnt.ones.xlane vm3;
	vm3 =	vlt.s32 v58, v1  }
0x4c: {  	vm3 =	vmand vm13, vm3  }
0x4d: {  	v27 =	vshll.u32 v27, $0xF;
	v59 =	vmpcnt.ones.xlane vm3  }
0x4e: {  	v25 =	vadd.s32 v25, v27  }
0x4f: {  	v60 =	vor.u32 v8, v25;
	v27 =	vshll.u32 v59, $0xF  }
0x50: {  	vm3 =	vlt.s32 v60, $0x61A7FF;
	v26 =	vadd.s32 v26, v27  }
0x51: {  	v27 =	vnsel vm3, $0x61A7FF, v60;
	v61 =	vor.u32 v8, v26  }
0x52: {  	vm3 =	vlt.s32 v61, $0x61A7FF  }
0x53: {  	v62 =	vnsel vm3, $0x61A7FF, v61;
	_ =	sdelay $0x2  }
0x54: {  	[tilespmem:s15], [sflag:$0x3] =	stream.indirect_vreg.gather [hbm4b:s2+s4], $0x1, v27, vm0, $0xb8;
	[tilespmem:$0x1D200] =	vst v63  }
0x55: {  	_ = 	snop  }
0x56: {  	[tilespmem:s16], [sflag:$0x4] =	stream.indirect_vreg.gather [hbm4b:s2+s4], $0x1, v62, vm0, $0xb8;
	[tilespmem:$0x1D200] =	vst v63  }
0x57: {  	_ =	swait.ge [sflag:s17], $0x10  }
0x58: {  	[sflag:s17] =	ssyncset.done $0x0  }
0x59: {  	[sflag:s17] =	ssyncadd.s32 $0xFFFFFFF0  }
0x5a: {  	v27 =	vld [tilespmem:$0x1D100];
	_ =	swait.ge [sflag:s18], $0x10  }
0x5b: {  	[sflag:s18] =	ssyncset.done $0x0  }
0x5c: {  	[sflag:s18] =	ssyncadd.s32 $0xFFFFFFF0  }
0x5d: {  	v63 =	vld [tilespmem:$0x1D180];
	_ =	sdelay $0x1  }
0x5e: {  	vm14 =	vlt.s32 v60, $0x61A800;
	vm3 =	vlt.s32 v27, v0  }
0x5f: {  	vm3 =	vmand vm14, vm3  }
0x60: {  	v27 =	vmpcnt.ones.xlane vm3  }
0x61: {  	vm15 =	vlt.s32 v61, $0x61A800;
	vm3 =	vlt.s32 v63, v1  }
0x62: {  	v27 =	vshll.u32 v27, $0xB;
	vm3 =	vmand vm15, vm3  }
0x63: {  	v25 =	vadd.s32 v25, v27;
	v27 =	vmpcnt.ones.xlane vm3  }
0x64: {  	v25 =	vnsel vm2, $0x0, v25  }
0x65: {  	v27 =	vshll.u32 v27, $0xB;
	(xrf0) =	vadd.scan.msk.s32 $0xffff, v25  }
0x66: {  	v25 =	vadd.s32 v26, v27  }
0x67: {  	v25 =	vnsel vm2, $0x0, v25  }
0x68: {  	(xrf0) =	vadd.scan.msk.s32 $0xffff, v25;
	_ =	sdelay $0x2  }
0x69: {  	v25, _, _ =	vpop (xrf0)  }
0x6a: {  	(v2sf) =	vpush v25, $0xF;
	_ =	sdelay $0x1  }
0x6b: {  	v25, _, _ =	vpop (xrf0)  }
0x6c: {  	(v2sf) =	vpush v25, $0xF;
	_ =	sdelay $0xb  }
0x6d: {  	s30 =	spop (v2sf)  }
0x6e: {  	s3 =	sand.u32 $0x3FFF, s30  }
0x6f: {  	s8 =	sshra.s32 s30, $0x1F;
	p1 =	slt.s32 s30, $0x1;
	p2 =	sne.s32 s3, $0x0  }
0x70: {  	s8 =	sshrl.u32 s8, $0x12;
	s31 =	spop (v2sf);
	p1 =	por !p1, !p2  }
0x71: {  	s0 =	sadd.s32 s8, s30;
	s8 =	simm.s32 $0x1;
	p1 =	por !p1, !p1  }
0x72: {  	s25 =	sadd.s32 $0x800, s31;
	s0 =	sshra.s32 s0, $0xE;
	s8 =	simm.s32 @!p1 $0x0  }
0x73: {  	p1 =	slt.s32 s25, $0x618000;
	s3 =	smov.u32 s25;
	s26 =	ssub.s32 s0, s8  }
0x74: {  	_ =	swait.ge [sflag:s19], $0x4000;
	s3 =	simm.s32 @!p1 $0x618000;
	s0 =	sshll.u32 s26, $0xE  }
0x75: {  	[sflag:s19] =	ssyncset.done $0x0;
	s3 =	ssub.s32 s3, s0  }
0x76: {  	[sflag:s19] =	ssyncadd.s32 $0xFFFFC000;
	p1 =	seq.s32 s0, s5;
	s28 =	sadd.s32 $0x3FFF, s3  }
0x77: {  	_ =	swait.ge [sflag:s19], $0x4000;
	p2 =	slt.s32 @!p1 s28, $0x4000  }
0x78: {  	[sflag:s19] =	ssyncset.done $0x0;
	p1 =	por p2, p1  }
0x79: {  	[sflag:s19] =	ssyncadd.s32 $0xFFFFC000;
	s3 =	sshrl.u32 @!p1 s0, $0x3  }
0x7a: {  	s20 =	simm.s32 @!p1 $0x0;
	s21 =	simm.s32 @!p1 $0xD100;
	s8 =	sadd.s32 @!p1 s1, s3  }
0x7b: {  	[tilespmem:s21], [sflag:$0x1] =	stream.linear.gather @!p1 [hbm4b:s8+s20], $0x4000, $0x38;
	[tilespmem:$0x1D200] =	vst v63  }
0x7c: {  	s3 =	sadd.s32 @!p1 s2, s3;
	s8 =	simm.s32 @!p1 $0x15100  }
0x7d: {  	[tilespmem:s8], [sflag:$0x1] =	stream.linear.gather @!p1 [hbm4b:s3+s20], $0x4000, $0x38;
	[tilespmem:$0x1D200] =	vst v63  }
0x7e: {  	s3 =	simm.s32 @!p1 $0x1  }
0x7f: {  	p2 =	slt.s32 s28, $0x8000;
	_ =	swait.ge @!p1 [sflag:s3], $0x4000  }
.Ltmp1:
0x80: {  	[sflag:s3] =	ssyncset.done @!p1 $0x0;
	(pc) =	sbr.rel @p2 .LBB2_5-.Ltmp1, $4  }
0x81: {  	[sflag:s3] =	ssyncadd.s32 @!p1 $0xFFFFC000  }
0x82: {  	_ =	swait.ge @!p1 [sflag:s3], $0x4000  }
0x83: {  	[sflag:s3] =	ssyncset.done @!p1 $0x0  }
0x84: {  	[sflag:s3] =	ssyncadd.s32 @!p1 $0xFFFFC000  }
0x85: {  	s0 =	sadd.s32 $0x4000, s0  }
.Ltmp2:
0x86: {  	s0 =	sshrl.u32 s0, $0x3;
	(pc) =	sbr.rel .LBB2_6-.Ltmp2, $4  }
0x87: {  	s8 =	simm.s32 $0x11100;
	s3 =	sadd.s32 s1, s0  }
0x88: {  	[tilespmem:s8], [sflag:$0x2] =	stream.linear.gather [hbm4b:s3+s4], $0x4000, $0x38;
	[tilespmem:$0x1D200] =	vst v63  }
0x89: {  	s31 =	simm.s32 $0x19100;
	s0 =	sadd.s32 s2, s0  }
0x8a: {  	[tilespmem:s31], [sflag:$0x2] =	stream.linear.gather [hbm4b:s0+s4], $0x4000, $0x38;
	[tilespmem:$0x1D200] =	vst v63  }
.LBB2_5:
0x8b: {  	p1 =	slt.s32 s28, $0x4000  }
.Ltmp3:
0x8c: {  	_ = 	snop;
	(pc) =	sbr.rel @p1 .LBB2_9-.Ltmp3, $1  }
0x8d: {  	_ =	sdelay $0x3  }
.LBB2_6:
0x8e: {  	s0 =	simm.s32 $0x15140  }
0x8f: {  	v25 =	vld [tilespmem:s0+$0xFFFFFFC0]  }
0x90: {  	v26 =	vld [tilespmem:s0+$0x30]  }
0x91: {  	v27 =	vld [tilespmem:s0+$0x20]  }
0x92: {  	v28 =	vld [tilespmem:s0+$0x10]  }
0x93: {  	v29 =	vld [tilespmem:s0+$0xFFFFFFF0]  }
0x94: {  	v30 =	vld [tilespmem:s0+$0xFFFFFFE0]  }
0x95: {  	v35 =	vld [tilespmem:s0+$0x0];
	_ =	sdelay $0x2  }
0x96: {  	v25 =	vsub.s32 v25, v0;
	v26 =	vsub.s32 v26, v0;
	v33 =	vsub.s32 v27, v0  }
0x97: {  	v28 =	vsub.s32 v28, v0;
	v29 =	vsub.s32 v29, v0;
	v63 =	vsub.s32 v30, v0  }
0x98: {  	v32 =	vld [tilespmem:s0+$0xFFFFFFD0];
	v35 =	vsub.s32 v35, v0;
	vm3 =	vgt.s32 v25, $0xFFFFFFFF;
	vm4 =	vlt.s32 v25, v3  }
0x99: {  	s3 =	simm.s32 $0xD140;
	v25 =	vadd.s32 v5, v25;
	vm5 =	vlt.s32 v26, v3;
	vm6 =	vgt.s32 v28, $0xFFFFFFFF  }
0x9a: {  	v34 =	vld [tilespmem:s3+$0x10];
	vm7 =	vlt.s32 v28, v3;
	v28 =	vadd.s32 v5, v28;
	vm3 =	vmand vm3, vm4  }
0x9b: {  	v38 =	vld [tilespmem:s3+$0x30];
	vm4 =	vgt.s32 v33, $0xFFFFFFFF;
	v31 =	vsel vm3, v25, v9;
	vm3 =	vgt.s32 v26, $0xFFFFFFFF  }
0x9c: {  	v27 =	vld [tilespmem:s3+$0xFFFFFFC0];
	vm6 =	vmand vm6, vm7;
	v26 =	vadd.s32 v5, v26;
	vm3 =	vmand vm3, vm5  }
0x9d: {  	v25 =	vld [tilespmem:s3+$0x20];
	v36 =	vsel vm6, v28, v9;
	v37 =	vsel vm3, v26, v9;
	v26 =	vsub.s32 v32, v0  }
0x9e: {  	v28 =	vld [tilespmem:s3+$0xFFFFFFD0];
	vm3 =	vlt.s32 v33, v3;
	vm5 =	vgt.s32 v26, $0xFFFFFFFF;
	vm6 =	vlt.s32 v26, v3  }
0x9f: {  	v32 =	vld [tilespmem:s3+$0xFFFFFFF0];
	vm7 =	vmand vm4, vm3;
	v30 =	vadd.s32 v5, v26;
	vm3 =	vmand vm5, vm6  }
0xa0: {  	v33 =	vadd.s32 v5, v33;
	v26 =	vld [tilespmem:s3+$0x0];
	vm4 =	vlt.s32 v63, v3;
	v30 =	vsel vm3, v30, v9  }
0xa1: {  	vm5 =	vgt.s32 v63, $0xFFFFFFFF;
	vm6 =	vlt.s32 v35, v3;
	[tilespmem:v31+s4+$0x0] =	vst.idx.add.f32.msk $0xffff, v27;
	v27 =	vadd.s32 v5, v29  }
0xa2: {  	v31 =	vadd.s32 v5, v63;
	vm3 =	vgt.s32 v29, $0xFFFFFFFF;
	[tilespmem:v36+s4+$0x0] =	vst.idx.add.f32.msk $0xffff, v34;
	vm5 =	vmand vm5, vm4  }
0xa3: {  	vm4 =	vlt.s32 v29, v3;
	v29 =	vld [tilespmem:s3+$0xFFFFFFE0];
	v31 =	vsel vm5, v31, v9;
	vm5 =	vgt.s32 v35, $0xFFFFFFFF  }
0xa4: {  	s20 =	simm.s32 $0x0;
	v33 =	vsel vm7, v33, v9;
	v34 =	vadd.s32 v5, v35;
	[tilespmem:v37+s4+$0x0] =	vst.idx.add.f32.msk $0xffff, v38;
	vm5 =	vmand vm5, vm6  }
.LBB2_7:
0xa5: {  	s20 =	sadd.s32 $0x8, s20;
	[tilespmem:v30+s4+$0x0] =	vst.idx.add.f32.msk $0xffff, v28;
	vm3 =	vmand vm3, vm4;
	v28 =	vsel vm5, v34, v9;
	s0 =	sadd.s32 $0x80, s0;
	s3 =	sadd.s32 $0x80, s3  }
0xa6: {  	v30 =	vld [tilespmem:s0+$0x10];
	p1 =	slt.u32 s20, $0x3F8;
	v27 =	vsel vm3, v27, v9  }
0xa7: {  	v34 =	vld [tilespmem:s0+$0x20]  }
0xa8: {  	v35 =	vld [tilespmem:s0+$0xFFFFFFC0]  }
0xa9: {  	v36 =	vld [tilespmem:s0+$0x30]  }
0xaa: {  	[tilespmem:v33+s4+$0x0] =	vst.idx.add.f32.msk $0xffff, v25  }
0xab: {  	[tilespmem:v27+s4+$0x0] =	vst.idx.add.f32.msk $0xffff, v32  }
0xac: {  	[tilespmem:v28+s4+$0x0] =	vst.idx.add.f32.msk $0xffff, v26  }
0xad: {  	v25 =	vsub.s32 v35, v0;
	[tilespmem:v31+s4+$0x0] =	vst.idx.add.f32.msk $0xffff, v29  }
0xae: {  	vm3 =	vgt.s32 v25, $0xFFFFFFFF;
	vm4 =	vlt.s32 v25, v3;
	v26 =	vld [tilespmem:s0+$0xFFFFFFF0]  }
0xaf: {  	v25 =	vadd.s32 v5, v25;
	v28 =	vsub.s32 v36, v0;
	vm3 =	vmand vm3, vm4;
	v27 =	vld [tilespmem:s0+$0xFFFFFFE0]  }
0xb0: {  	v32 =	vsub.s32 v34, v0;
	v29 =	vsel vm3, v25, v9;
	v31 =	vld [tilespmem:s0+$0xFFFFFFD0];
	vm3 =	vgt.s32 v28, $0xFFFFFFFF  }
0xb1: {  	v30 =	vsub.s32 v30, v0;
	vm4 =	vgt.s32 v32, $0xFFFFFFFF;
	vm5 =	vlt.s32 v28, v3;
	v33 =	vld [tilespmem:s3+$0xFFFFFFC0]  }
0xb2: {  	vm6 =	vgt.s32 v30, $0xFFFFFFFF;
	vm7 =	vlt.s32 v30, v3;
	v28 =	vadd.s32 v5, v28;
	v25 =	vld [tilespmem:s3+$0x20]  }
0xb3: {  	v30 =	vadd.s32 v5, v30;
	vm6 =	vmand vm6, vm7;
	vm3 =	vmand vm3, vm5;
	v34 =	vld [tilespmem:s3+$0x10]  }
0xb4: {  	v37 =	vsel vm6, v30, v9;
	v38 =	vsel vm3, v28, v9;
	v35 =	vsub.s32 v26, v0;
	v36 =	vld [tilespmem:s0+$0x0]  }
0xb5: {  	vm3 =	vlt.s32 v32, v3;
	v26 =	vsub.s32 v31, v0;
	v31 =	vsub.s32 v27, v0;
	v39 =	vld [tilespmem:s3+$0x30]  }
0xb6: {  	vm7 =	vmand vm4, vm3;
	[tilespmem:v29+s4+$0x0] =	vst.idx.add.f32.msk $0xffff, v33;
	vm5 =	vgt.s32 v26, $0xFFFFFFFF;
	vm6 =	vlt.s32 v26, v3  }
0xb7: {  	v27 =	vadd.s32 v5, v35;
	v29 =	vadd.s32 v5, v26;
	vm3 =	vmand vm5, vm6;
	v26 =	vld [tilespmem:s3+$0x0]  }
.Ltmp4:
0xb8: {  	vm4 =	vlt.s32 v31, v3;
	v33 =	vadd.s32 v5, v31;
	v28 =	vld [tilespmem:s3+$0xFFFFFFD0];
	v30 =	vsel vm3, v29, v9;
	(pc) =	sbr.rel @p1 .LBB2_7-.Ltmp4, $4  }
0xb9: {  	vm5 =	vgt.s32 v31, $0xFFFFFFFF;
	vm3 =	vgt.s32 v35, $0xFFFFFFFF;
	v36 =	vsub.s32 v36, v0;
	[tilespmem:v37+s4+$0x0] =	vst.idx.add.f32.msk $0xffff, v34  }
0xba: {  	vm5 =	vmand vm5, vm4;
	vm4 =	vlt.s32 v35, v3;
	v35 =	vadd.s32 v5, v32;
	[tilespmem:v38+s4+$0x0] =	vst.idx.add.f32.msk $0xffff, v39  }
0xbb: {  	v31 =	vsel vm5, v33, v9;
	vm5 =	vgt.s32 v36, $0xFFFFFFFF;
	vm6 =	vlt.s32 v36, v3;
	v29 =	vld [tilespmem:s3+$0xFFFFFFE0]  }
0xbc: {  	v33 =	vsel vm7, v35, v9;
	v34 =	vadd.s32 v5, v36;
	vm5 =	vmand vm5, vm6;
	v32 =	vld [tilespmem:s3+$0xFFFFFFF0]  }
0xbd: {  	_ =	sdelay $0x1  }
0xbe: {  	vm3 =	vmand vm3, vm4;
	v34 =	vsel vm5, v34, v9  }
0xbf: {  	v27 =	vsel vm3, v27, v9  }
0xc0: {  	[tilespmem:v30+s4+$0x0] =	vst.idx.add.f32.msk $0xffff, v28  }
0xc1: {  	[tilespmem:v33+s4+$0x0] =	vst.idx.add.f32.msk $0xffff, v25  }
0xc2: {  	[tilespmem:v31+s4+$0x0] =	vst.idx.add.f32.msk $0xffff, v29  }
0xc3: {  	[tilespmem:v34+s4+$0x0] =	vst.idx.add.f32.msk $0xffff, v26  }
0xc4: {  	[tilespmem:v27+s4+$0x0] =	vst.idx.add.f32.msk $0xffff, v32  }
.LBB2_9:
0xc5: {  	s0 =	sshra.s32 s28, $0x1F  }
0xc6: {  	s0 =	sshrl.u32 s0, $0x12  }
0xc7: {  	s0 =	sadd.s32 s0, s28  }
0xc8: {  	s28 =	sshra.s32 s0, $0xE  }
0xc9: {  	p1 =	sgt.s32 s28, $0x0  }
0xca: {  	s28 =	simm.s32 @!p1 $0x0  }
0xcb: {  	s29 =	sshrl.u32 s28, $0x1  }
0xcc: {  	p1 =	seq.s32 s29, $0x0  }
.Ltmp5:
0xcd: {  	_ = 	snop;
	(pc) =	sbr.rel @p1 .LBB2_21-.Ltmp5, $1  }
0xce: {  	_ =	sdelay $0x3  }
.Ltmp6:
0xcf: {  	(pc) =	sbr.rel .LBB2_11-.Ltmp6, $2  }
0xd0: {  	_ =	sdelay $0x2  }
0xd1: {  	s30 =	sadd.s32 $0xFFFFFFFF, s28;
	s31 =	simm.s32 $0x0  }
.LBB2_19:
0xd2: {  	_ =	sdelay $0x1  }
0xd3: {  	vm3 =	vmand vm3, vm4;
	v34 =	vsel vm5, v34, v9  }
0xd4: {  	v27 =	vsel vm3, v27, v9  }
0xd5: {  	[tilespmem:v30+s4+$0x0] =	vst.idx.add.f32.msk $0xffff, v28  }
0xd6: {  	[tilespmem:v33+s4+$0x0] =	vst.idx.add.f32.msk $0xffff, v25  }
0xd7: {  	[tilespmem:v31+s4+$0x0] =	vst.idx.add.f32.msk $0xffff, v29  }
0xd8: {  	[tilespmem:v34+s4+$0x0] =	vst.idx.add.f32.msk $0xffff, v26  }
0xd9: {  	[tilespmem:v27+s4+$0x0] =	vst.idx.add.f32.msk $0xffff, v32  }
.LBB2_20:
0xda: {  	s31 =	sadd.s32 $0x1, s31  }
0xdb: {  	p1 =	sne.s32 s31, s29  }
.Ltmp7:
0xdc: {  	_ = 	snop;
	(pc) =	sbr.rel @!p1 .LBB2_21-.Ltmp7, $1  }
0xdd: {  	_ =	sdelay $0x3  }
.LBB2_11:
0xde: {  	s3 =	sshll.u32 s31, $0x1  }
0xdf: {  	p1 =	slt.s32 s3, s30  }
.Ltmp8:
0xe0: {  	_ = 	snop;
	(pc) =	sbr.rel @!p1 .LBB2_12-.Ltmp8, $1  }
0xe1: {  	_ =	sdelay $0x3  }
0xe2: {  	_ =	swait.ge [sflag:s23], $0x4000;
	s0 =	sadd.s32 $0x2, s3  }
0xe3: {  	[sflag:s23] =	ssyncset.done $0x0;
	p1 =	sge.u32 s0, s28  }
0xe4: {  	[sflag:s23] =	ssyncadd.s32 $0xFFFFC000;
	s8 =	sadd.s32 @!p1 s26, s0  }
0xe5: {  	_ =	swait.ge [sflag:s23], $0x4000;
	s8 =	sshll.u32 @!p1 s8, $0xB  }
0xe6: {  	s21 =	simm.s32 @!p1 $0x0;
	[sflag:s23] =	ssyncset.done $0x0;
	s8 =	sand.u32 @!p1 $0x1FFFF800, s8  }
0xe7: {  	s9 =	simm.s32 @!p1 $0xD100;
	[sflag:s23] =	ssyncadd.s32 $0xFFFFC000;
	s20 =	sadd.s32 @!p1 s1, s8  }
0xe8: {  	[tilespmem:s9], [sflag:$0x1] =	stream.linear.gather @!p1 [hbm4b:s20+s21], $0x4000, $0x38;
	[tilespmem:$0x1D200] =	vst v63  }
0xe9: {  	s8 =	sadd.s32 @!p1 s2, s8;
	s9 =	simm.s32 @!p1 $0x15100;
	s20 =	simm.s32 $0x19140  }
0xea: {  	[tilespmem:s9], [sflag:$0x1] =	stream.linear.gather @!p1 [hbm4b:s8+s21], $0x4000, $0x38;
	[tilespmem:$0x1D200] =	vst v63  }
0xeb: {  	v25 =	vld [tilespmem:s20+$0xFFFFFFC0]  }
0xec: {  	v26 =	vld [tilespmem:s20+$0x30]  }
0xed: {  	v27 =	vld [tilespmem:s20+$0x20]  }
0xee: {  	v28 =	vld [tilespmem:s20+$0x10]  }
0xef: {  	v29 =	vld [tilespmem:s20+$0xFFFFFFF0]  }
0xf0: {  	v30 =	vld [tilespmem:s20+$0xFFFFFFE0]  }
0xf1: {  	v35 =	vld [tilespmem:s20+$0x0];
	_ =	sdelay $0x2  }
0xf2: {  	v25 =	vsub.s32 v25, v0;
	v26 =	vsub.s32 v26, v0;
	v33 =	vsub.s32 v27, v0  }
0xf3: {  	v28 =	vsub.s32 v28, v0;
	v29 =	vsub.s32 v29, v0;
	v63 =	vsub.s32 v30, v0  }
0xf4: {  	v32 =	vld [tilespmem:s20+$0xFFFFFFD0];
	v35 =	vsub.s32 v35, v0;
	vm3 =	vgt.s32 v25, $0xFFFFFFFF;
	vm4 =	vlt.s32 v25, v3  }
0xf5: {  	s21 =	simm.s32 $0x11140;
	v25 =	vadd.s32 v5, v25;
	vm5 =	vlt.s32 v26, v3;
	vm6 =	vgt.s32 v28, $0xFFFFFFFF  }
0xf6: {  	v34 =	vld [tilespmem:s21+$0x10];
	vm7 =	vlt.s32 v28, v3;
	v28 =	vadd.s32 v5, v28;
	vm3 =	vmand vm3, vm4  }
0xf7: {  	v38 =	vld [tilespmem:s21+$0x30];
	vm4 =	vgt.s32 v33, $0xFFFFFFFF;
	v31 =	vsel vm3, v25, v9;
	vm3 =	vgt.s32 v26, $0xFFFFFFFF  }
0xf8: {  	v27 =	vld [tilespmem:s21+$0xFFFFFFC0];
	vm6 =	vmand vm6, vm7;
	v26 =	vadd.s32 v5, v26;
	vm3 =	vmand vm3, vm5  }
0xf9: {  	v25 =	vld [tilespmem:s21+$0x20];
	v36 =	vsel vm6, v28, v9;
	v37 =	vsel vm3, v26, v9;
	v26 =	vsub.s32 v32, v0  }
0xfa: {  	v28 =	vld [tilespmem:s21+$0xFFFFFFD0];
	vm3 =	vlt.s32 v33, v3;
	vm5 =	vgt.s32 v26, $0xFFFFFFFF;
	vm6 =	vlt.s32 v26, v3  }
0xfb: {  	v32 =	vld [tilespmem:s21+$0xFFFFFFF0];
	vm7 =	vmand vm4, vm3;
	v30 =	vadd.s32 v5, v26;
	vm3 =	vmand vm5, vm6  }
0xfc: {  	v33 =	vadd.s32 v5, v33;
	v26 =	vld [tilespmem:s21+$0x0];
	vm4 =	vlt.s32 v63, v3;
	v30 =	vsel vm3, v30, v9  }
0xfd: {  	vm5 =	vgt.s32 v63, $0xFFFFFFFF;
	vm6 =	vlt.s32 v35, v3;
	[tilespmem:v31+s4+$0x0] =	vst.idx.add.f32.msk $0xffff, v27;
	v27 =	vadd.s32 v5, v29  }
0xfe: {  	v31 =	vadd.s32 v5, v63;
	vm3 =	vgt.s32 v29, $0xFFFFFFFF;
	[tilespmem:v36+s4+$0x0] =	vst.idx.add.f32.msk $0xffff, v34;
	vm5 =	vmand vm5, vm4  }
0xff: {  	vm4 =	vlt.s32 v29, v3;
	v29 =	vld [tilespmem:s21+$0xFFFFFFE0];
	v31 =	vsel vm5, v31, v9;
	vm5 =	vgt.s32 v35, $0xFFFFFFFF  }
0x100: {  	s8 =	simm.s32 $0x0;
	v33 =	vsel vm7, v33, v9;
	v34 =	vadd.s32 v5, v35;
	[tilespmem:v37+s4+$0x0] =	vst.idx.add.f32.msk $0xffff, v38;
	vm5 =	vmand vm5, vm6  }
.LBB2_14:
0x101: {  	s8 =	sadd.s32 $0x8, s8;
	[tilespmem:v30+s4+$0x0] =	vst.idx.add.f32.msk $0xffff, v28;
	vm3 =	vmand vm3, vm4;
	v28 =	vsel vm5, v34, v9;
	s20 =	sadd.s32 $0x80, s20;
	s21 =	sadd.s32 $0x80, s21  }
0x102: {  	v30 =	vld [tilespmem:s20+$0x10];
	p1 =	slt.u32 s8, $0x3F8;
	v27 =	vsel vm3, v27, v9  }
0x103: {  	v34 =	vld [tilespmem:s20+$0x20]  }
0x104: {  	v35 =	vld [tilespmem:s20+$0xFFFFFFC0]  }
0x105: {  	v36 =	vld [tilespmem:s20+$0x30]  }
0x106: {  	[tilespmem:v33+s4+$0x0] =	vst.idx.add.f32.msk $0xffff, v25  }
0x107: {  	[tilespmem:v27+s4+$0x0] =	vst.idx.add.f32.msk $0xffff, v32  }
0x108: {  	[tilespmem:v28+s4+$0x0] =	vst.idx.add.f32.msk $0xffff, v26  }
0x109: {  	v25 =	vsub.s32 v35, v0;
	[tilespmem:v31+s4+$0x0] =	vst.idx.add.f32.msk $0xffff, v29  }
0x10a: {  	vm3 =	vgt.s32 v25, $0xFFFFFFFF;
	vm4 =	vlt.s32 v25, v3;
	v26 =	vld [tilespmem:s20+$0xFFFFFFF0]  }
0x10b: {  	v25 =	vadd.s32 v5, v25;
	v28 =	vsub.s32 v36, v0;
	vm3 =	vmand vm3, vm4;
	v27 =	vld [tilespmem:s20+$0xFFFFFFE0]  }
0x10c: {  	v32 =	vsub.s32 v34, v0;
	v29 =	vsel vm3, v25, v9;
	v31 =	vld [tilespmem:s20+$0xFFFFFFD0];
	vm3 =	vgt.s32 v28, $0xFFFFFFFF  }
0x10d: {  	v30 =	vsub.s32 v30, v0;
	vm4 =	vgt.s32 v32, $0xFFFFFFFF;
	vm5 =	vlt.s32 v28, v3;
	v33 =	vld [tilespmem:s21+$0xFFFFFFC0]  }
0x10e: {  	vm6 =	vgt.s32 v30, $0xFFFFFFFF;
	vm7 =	vlt.s32 v30, v3;
	v28 =	vadd.s32 v5, v28;
	v25 =	vld [tilespmem:s21+$0x20]  }
0x10f: {  	v30 =	vadd.s32 v5, v30;
	vm6 =	vmand vm6, vm7;
	vm3 =	vmand vm3, vm5;
	v34 =	vld [tilespmem:s21+$0x10]  }
0x110: {  	v37 =	vsel vm6, v30, v9;
	v38 =	vsel vm3, v28, v9;
	v35 =	vsub.s32 v26, v0;
	v36 =	vld [tilespmem:s20+$0x0]  }
0x111: {  	vm3 =	vlt.s32 v32, v3;
	v26 =	vsub.s32 v31, v0;
	v31 =	vsub.s32 v27, v0;
	v39 =	vld [tilespmem:s21+$0x30]  }
0x112: {  	vm7 =	vmand vm4, vm3;
	[tilespmem:v29+s4+$0x0] =	vst.idx.add.f32.msk $0xffff, v33;
	vm5 =	vgt.s32 v26, $0xFFFFFFFF;
	vm6 =	vlt.s32 v26, v3  }
0x113: {  	v27 =	vadd.s32 v5, v35;
	v29 =	vadd.s32 v5, v26;
	vm3 =	vmand vm5, vm6;
	v26 =	vld [tilespmem:s21+$0x0]  }
.Ltmp9:
0x114: {  	vm4 =	vlt.s32 v31, v3;
	v33 =	vadd.s32 v5, v31;
	v28 =	vld [tilespmem:s21+$0xFFFFFFD0];
	v30 =	vsel vm3, v29, v9;
	(pc) =	sbr.rel @p1 .LBB2_14-.Ltmp9, $4  }
0x115: {  	vm5 =	vgt.s32 v31, $0xFFFFFFFF;
	vm3 =	vgt.s32 v35, $0xFFFFFFFF;
	v36 =	vsub.s32 v36, v0;
	[tilespmem:v37+s4+$0x0] =	vst.idx.add.f32.msk $0xffff, v34  }
0x116: {  	vm5 =	vmand vm5, vm4;
	vm4 =	vlt.s32 v35, v3;
	v35 =	vadd.s32 v5, v32;
	[tilespmem:v38+s4+$0x0] =	vst.idx.add.f32.msk $0xffff, v39  }
0x117: {  	v31 =	vsel vm5, v33, v9;
	vm5 =	vgt.s32 v36, $0xFFFFFFFF;
	vm6 =	vlt.s32 v36, v3;
	v29 =	vld [tilespmem:s21+$0xFFFFFFE0]  }
0x118: {  	v33 =	vsel vm7, v35, v9;
	v34 =	vadd.s32 v5, v36;
	vm5 =	vmand vm5, vm6;
	v32 =	vld [tilespmem:s21+$0xFFFFFFF0]  }
0x119: {  	_ =	sdelay $0x1  }
0x11a: {  	vm3 =	vmand vm3, vm4;
	v34 =	vsel vm5, v34, v9  }
0x11b: {  	v27 =	vsel vm3, v27, v9  }
.Ltmp10:
0x11c: {  	[tilespmem:v30+s4+$0x0] =	vst.idx.add.f32.msk $0xffff, v28;
	(pc) =	sbr.rel .LBB2_16-.Ltmp10, $4  }
0x11d: {  	[tilespmem:v33+s4+$0x0] =	vst.idx.add.f32.msk $0xffff, v25  }
0x11e: {  	[tilespmem:v31+s4+$0x0] =	vst.idx.add.f32.msk $0xffff, v29  }
0x11f: {  	[tilespmem:v34+s4+$0x0] =	vst.idx.add.f32.msk $0xffff, v26  }
0x120: {  	[tilespmem:v27+s4+$0x0] =	vst.idx.add.f32.msk $0xffff, v32  }
.LBB2_12:
0x121: {  	s0 =	sadd.s32 $0x2, s3  }
.LBB2_16:
0x122: {  	p1 =	sge.u32 s0, s28  }
.Ltmp11:
0x123: {  	_ = 	snop;
	(pc) =	sbr.rel @p1 .LBB2_20-.Ltmp11, $1  }
0x124: {  	_ =	sdelay $0x3  }
0x125: {  	_ =	swait.ge [sflag:s19], $0x4000;
	s0 =	sadd.s32 $0x3, s3  }
0x126: {  	[sflag:s19] =	ssyncset.done $0x0;
	p1 =	sge.u32 s0, s28  }
0x127: {  	[sflag:s19] =	ssyncadd.s32 $0xFFFFC000;
	s0 =	sadd.s32 @!p1 s26, s0  }
0x128: {  	_ =	swait.ge [sflag:s19], $0x4000;
	s0 =	sshll.u32 @!p1 s0, $0xB  }
0x129: {  	s8 =	simm.s32 @!p1 $0x0;
	[sflag:s19] =	ssyncset.done $0x0;
	s0 =	sand.u32 @!p1 $0x1FFFF800, s0  }
0x12a: {  	s9 =	simm.s32 @!p1 $0x11100;
	[sflag:s19] =	ssyncadd.s32 $0xFFFFC000;
	s3 =	sadd.s32 @!p1 s1, s0  }
0x12b: {  	[tilespmem:s9], [sflag:$0x2] =	stream.linear.gather @!p1 [hbm4b:s3+s8], $0x4000, $0x38;
	[tilespmem:$0x1D200] =	vst v63  }
0x12c: {  	s0 =	sadd.s32 @!p1 s2, s0;
	s3 =	simm.s32 @!p1 $0x19100  }
0x12d: {  	[tilespmem:s3], [sflag:$0x2] =	stream.linear.gather @!p1 [hbm4b:s0+s8], $0x4000, $0x38;
	[tilespmem:$0x1D200] =	vst v63  }
0x12e: {  	s0 =	simm.s32 $0x15140  }
0x12f: {  	v25 =	vld [tilespmem:s0+$0xFFFFFFC0]  }
0x130: {  	v26 =	vld [tilespmem:s0+$0x30]  }
0x131: {  	v27 =	vld [tilespmem:s0+$0x20]  }
0x132: {  	v28 =	vld [tilespmem:s0+$0x10]  }
0x133: {  	v29 =	vld [tilespmem:s0+$0xFFFFFFF0]  }
0x134: {  	v30 =	vld [tilespmem:s0+$0xFFFFFFE0]  }
0x135: {  	v35 =	vld [tilespmem:s0+$0x0];
	_ =	sdelay $0x2  }
0x136: {  	v25 =	vsub.s32 v25, v0;
	v26 =	vsub.s32 v26, v0;
	v33 =	vsub.s32 v27, v0  }
0x137: {  	v28 =	vsub.s32 v28, v0;
	v29 =	vsub.s32 v29, v0;
	v63 =	vsub.s32 v30, v0  }
0x138: {  	v32 =	vld [tilespmem:s0+$0xFFFFFFD0];
	v35 =	vsub.s32 v35, v0;
	vm3 =	vgt.s32 v25, $0xFFFFFFFF;
	vm4 =	vlt.s32 v25, v3  }
0x139: {  	s3 =	simm.s32 $0xD140;
	v25 =	vadd.s32 v5, v25;
	vm5 =	vlt.s32 v26, v3;
	vm6 =	vgt.s32 v28, $0xFFFFFFFF  }
0x13a: {  	v34 =	vld [tilespmem:s3+$0x10];
	vm7 =	vlt.s32 v28, v3;
	v28 =	vadd.s32 v5, v28;
	vm3 =	vmand vm3, vm4  }
0x13b: {  	v38 =	vld [tilespmem:s3+$0x30];
	vm4 =	vgt.s32 v33, $0xFFFFFFFF;
	v31 =	vsel vm3, v25, v9;
	vm3 =	vgt.s32 v26, $0xFFFFFFFF  }
0x13c: {  	v27 =	vld [tilespmem:s3+$0xFFFFFFC0];
	vm6 =	vmand vm6, vm7;
	v26 =	vadd.s32 v5, v26;
	vm3 =	vmand vm3, vm5  }
0x13d: {  	v25 =	vld [tilespmem:s3+$0x20];
	v36 =	vsel vm6, v28, v9;
	v37 =	vsel vm3, v26, v9;
	v26 =	vsub.s32 v32, v0  }
0x13e: {  	v28 =	vld [tilespmem:s3+$0xFFFFFFD0];
	vm3 =	vlt.s32 v33, v3;
	vm5 =	vgt.s32 v26, $0xFFFFFFFF;
	vm6 =	vlt.s32 v26, v3  }
0x13f: {  	v32 =	vld [tilespmem:s3+$0xFFFFFFF0];
	vm7 =	vmand vm4, vm3;
	v30 =	vadd.s32 v5, v26;
	vm3 =	vmand vm5, vm6  }
0x140: {  	v33 =	vadd.s32 v5, v33;
	v26 =	vld [tilespmem:s3+$0x0];
	vm4 =	vlt.s32 v63, v3;
	v30 =	vsel vm3, v30, v9  }
0x141: {  	vm5 =	vgt.s32 v63, $0xFFFFFFFF;
	vm6 =	vlt.s32 v35, v3;
	[tilespmem:v31+s4+$0x0] =	vst.idx.add.f32.msk $0xffff, v27;
	v27 =	vadd.s32 v5, v29  }
0x142: {  	v31 =	vadd.s32 v5, v63;
	vm3 =	vgt.s32 v29, $0xFFFFFFFF;
	[tilespmem:v36+s4+$0x0] =	vst.idx.add.f32.msk $0xffff, v34;
	vm5 =	vmand vm5, vm4  }
0x143: {  	vm4 =	vlt.s32 v29, v3;
	v29 =	vld [tilespmem:s3+$0xFFFFFFE0];
	v31 =	vsel vm5, v31, v9;
	vm5 =	vgt.s32 v35, $0xFFFFFFFF  }
0x144: {  	s8 =	simm.s32 $0x0;
	v33 =	vsel vm7, v33, v9;
	v34 =	vadd.s32 v5, v35;
	[tilespmem:v37+s4+$0x0] =	vst.idx.add.f32.msk $0xffff, v38;
	vm5 =	vmand vm5, vm6  }
.LBB2_18:
0x145: {  	s8 =	sadd.s32 $0x8, s8;
	[tilespmem:v30+s4+$0x0] =	vst.idx.add.f32.msk $0xffff, v28;
	vm3 =	vmand vm3, vm4;
	v28 =	vsel vm5, v34, v9;
	s0 =	sadd.s32 $0x80, s0;
	s3 =	sadd.s32 $0x80, s3  }
0x146: {  	v30 =	vld [tilespmem:s0+$0x10];
	p1 =	slt.u32 s8, $0x3F8;
	v27 =	vsel vm3, v27, v9  }
0x147: {  	v34 =	vld [tilespmem:s0+$0x20]  }
0x148: {  	v35 =	vld [tilespmem:s0+$0xFFFFFFC0]  }
0x149: {  	v36 =	vld [tilespmem:s0+$0x30]  }
0x14a: {  	[tilespmem:v33+s4+$0x0] =	vst.idx.add.f32.msk $0xffff, v25  }
0x14b: {  	[tilespmem:v27+s4+$0x0] =	vst.idx.add.f32.msk $0xffff, v32  }
0x14c: {  	[tilespmem:v28+s4+$0x0] =	vst.idx.add.f32.msk $0xffff, v26  }
0x14d: {  	v25 =	vsub.s32 v35, v0;
	[tilespmem:v31+s4+$0x0] =	vst.idx.add.f32.msk $0xffff, v29  }
0x14e: {  	vm3 =	vgt.s32 v25, $0xFFFFFFFF;
	vm4 =	vlt.s32 v25, v3;
	v26 =	vld [tilespmem:s0+$0xFFFFFFF0]  }
0x14f: {  	v25 =	vadd.s32 v5, v25;
	v28 =	vsub.s32 v36, v0;
	vm3 =	vmand vm3, vm4;
	v27 =	vld [tilespmem:s0+$0xFFFFFFE0]  }
0x150: {  	v32 =	vsub.s32 v34, v0;
	v29 =	vsel vm3, v25, v9;
	v31 =	vld [tilespmem:s0+$0xFFFFFFD0];
	vm3 =	vgt.s32 v28, $0xFFFFFFFF  }
0x151: {  	v30 =	vsub.s32 v30, v0;
	vm4 =	vgt.s32 v32, $0xFFFFFFFF;
	vm5 =	vlt.s32 v28, v3;
	v33 =	vld [tilespmem:s3+$0xFFFFFFC0]  }
0x152: {  	vm6 =	vgt.s32 v30, $0xFFFFFFFF;
	vm7 =	vlt.s32 v30, v3;
	v28 =	vadd.s32 v5, v28;
	v25 =	vld [tilespmem:s3+$0x20]  }
0x153: {  	v30 =	vadd.s32 v5, v30;
	vm6 =	vmand vm6, vm7;
	vm3 =	vmand vm3, vm5;
	v34 =	vld [tilespmem:s3+$0x10]  }
0x154: {  	v37 =	vsel vm6, v30, v9;
	v38 =	vsel vm3, v28, v9;
	v35 =	vsub.s32 v26, v0;
	v36 =	vld [tilespmem:s0+$0x0]  }
0x155: {  	vm3 =	vlt.s32 v32, v3;
	v26 =	vsub.s32 v31, v0;
	v31 =	vsub.s32 v27, v0;
	v39 =	vld [tilespmem:s3+$0x30]  }
0x156: {  	vm7 =	vmand vm4, vm3;
	[tilespmem:v29+s4+$0x0] =	vst.idx.add.f32.msk $0xffff, v33;
	vm5 =	vgt.s32 v26, $0xFFFFFFFF;
	vm6 =	vlt.s32 v26, v3  }
0x157: {  	v27 =	vadd.s32 v5, v35;
	v29 =	vadd.s32 v5, v26;
	vm3 =	vmand vm5, vm6;
	v26 =	vld [tilespmem:s3+$0x0]  }
.Ltmp12:
0x158: {  	vm4 =	vlt.s32 v31, v3;
	v33 =	vadd.s32 v5, v31;
	v28 =	vld [tilespmem:s3+$0xFFFFFFD0];
	v30 =	vsel vm3, v29, v9;
	(pc) =	sbr.rel @p1 .LBB2_18-.Ltmp12, $4  }
0x159: {  	vm5 =	vgt.s32 v31, $0xFFFFFFFF;
	vm3 =	vgt.s32 v35, $0xFFFFFFFF;
	v36 =	vsub.s32 v36, v0;
	[tilespmem:v37+s4+$0x0] =	vst.idx.add.f32.msk $0xffff, v34  }
0x15a: {  	vm5 =	vmand vm5, vm4;
	vm4 =	vlt.s32 v35, v3;
	v35 =	vadd.s32 v5, v32;
	[tilespmem:v38+s4+$0x0] =	vst.idx.add.f32.msk $0xffff, v39  }
0x15b: {  	v31 =	vsel vm5, v33, v9;
	vm5 =	vgt.s32 v36, $0xFFFFFFFF;
	vm6 =	vlt.s32 v36, v3;
	v29 =	vld [tilespmem:s3+$0xFFFFFFE0]  }
0x15c: {  	v33 =	vsel vm7, v35, v9;
	v34 =	vadd.s32 v5, v36;
	vm5 =	vmand vm5, vm6;
	v32 =	vld [tilespmem:s3+$0xFFFFFFF0]  }
.Ltmp13:
0x15d: {  	_ = 	snop;
	(pc) =	sbr.rel .LBB2_19-.Ltmp13, $1  }
0x15e: {  	_ =	sdelay $0x3  }
.LBB2_21:
0x15f: {  	p1 =	slt.s32 s25, $0x618001  }
.Ltmp14:
0x160: {  	_ = 	snop;
	(pc) =	sbr.rel @p1 .LBB2_25-.Ltmp14, $1  }
0x161: {  	_ =	sdelay $0x3  }
0x162: {  	s0 =	rddreg [dreg:$0x4]  }
0x163: {  	[tilespmem:s13], [sflag:$0x5] =	stream.linear.gather [hbm4b:s0+s4], $0x2800, $0x38;
	[tilespmem:$0x1D200] =	vst v63  }
0x164: {  	_ =	swait.ge [sflag:s22], $0x2800  }
0x165: {  	[sflag:s22] =	ssyncset.done $0x0  }
0x166: {  	s31 =	rddreg [dreg:$0x5];
	[sflag:s22] =	ssyncadd.s32 $0xFFFFD800  }
0x167: {  	[tilespmem:s14], [sflag:$0x5] =	stream.linear.gather [hbm4b:s31+s4], $0x2800, $0x38;
	[tilespmem:$0x1D200] =	vst v63  }
0x168: {  	_ =	swait.ge [sflag:s22], $0x2800  }
0x169: {  	[sflag:s22] =	ssyncset.done $0x0  }
0x16a: {  	s0 =	simm.s32 $0x15140;
	[sflag:s22] =	ssyncadd.s32 $0xFFFFD800  }
0x16b: {  	v25 =	vld [tilespmem:s0+$0xFFFFFFC0]  }
0x16c: {  	v26 =	vld [tilespmem:s0+$0x30]  }
0x16d: {  	v27 =	vld [tilespmem:s0+$0x20]  }
0x16e: {  	v28 =	vld [tilespmem:s0+$0x10]  }
0x16f: {  	v29 =	vld [tilespmem:s0+$0xFFFFFFF0]  }
0x170: {  	v30 =	vld [tilespmem:s0+$0xFFFFFFE0]  }
0x171: {  	v35 =	vld [tilespmem:s0+$0x0];
	_ =	sdelay $0x2  }
0x172: {  	v25 =	vsub.s32 v25, v0;
	v26 =	vsub.s32 v26, v0;
	v33 =	vsub.s32 v27, v0  }
0x173: {  	v28 =	vsub.s32 v28, v0;
	v29 =	vsub.s32 v29, v0;
	v63 =	vsub.s32 v30, v0  }
0x174: {  	v32 =	vld [tilespmem:s0+$0xFFFFFFD0];
	v35 =	vsub.s32 v35, v0;
	vm3 =	vgt.s32 v25, $0xFFFFFFFF;
	vm4 =	vlt.s32 v25, v3  }
0x175: {  	s3 =	simm.s32 $0xD140;
	v25 =	vadd.s32 v5, v25;
	vm5 =	vlt.s32 v26, v3;
	vm6 =	vgt.s32 v28, $0xFFFFFFFF  }
0x176: {  	v34 =	vld [tilespmem:s3+$0x10];
	vm7 =	vlt.s32 v28, v3;
	v28 =	vadd.s32 v5, v28;
	vm3 =	vmand vm3, vm4  }
0x177: {  	v38 =	vld [tilespmem:s3+$0x30];
	vm4 =	vgt.s32 v33, $0xFFFFFFFF;
	v31 =	vsel vm3, v25, v9;
	vm3 =	vgt.s32 v26, $0xFFFFFFFF  }
0x178: {  	v27 =	vld [tilespmem:s3+$0xFFFFFFC0];
	vm6 =	vmand vm6, vm7;
	v26 =	vadd.s32 v5, v26;
	vm3 =	vmand vm3, vm5  }
0x179: {  	v25 =	vld [tilespmem:s3+$0x20];
	v36 =	vsel vm6, v28, v9;
	v37 =	vsel vm3, v26, v9;
	v26 =	vsub.s32 v32, v0  }
0x17a: {  	v28 =	vld [tilespmem:s3+$0xFFFFFFD0];
	vm3 =	vlt.s32 v33, v3;
	vm5 =	vgt.s32 v26, $0xFFFFFFFF;
	vm6 =	vlt.s32 v26, v3  }
0x17b: {  	v32 =	vld [tilespmem:s3+$0xFFFFFFF0];
	vm7 =	vmand vm4, vm3;
	v30 =	vadd.s32 v5, v26;
	vm3 =	vmand vm5, vm6  }
0x17c: {  	v33 =	vadd.s32 v5, v33;
	v26 =	vld [tilespmem:s3+$0x0];
	vm4 =	vlt.s32 v63, v3;
	v30 =	vsel vm3, v30, v9  }
0x17d: {  	vm5 =	vgt.s32 v63, $0xFFFFFFFF;
	vm6 =	vlt.s32 v35, v3;
	[tilespmem:v31+s4+$0x0] =	vst.idx.add.f32.msk $0xffff, v27;
	v27 =	vadd.s32 v5, v29  }
0x17e: {  	v31 =	vadd.s32 v5, v63;
	vm3 =	vgt.s32 v29, $0xFFFFFFFF;
	[tilespmem:v36+s4+$0x0] =	vst.idx.add.f32.msk $0xffff, v34;
	vm5 =	vmand vm5, vm4  }
0x17f: {  	vm4 =	vlt.s32 v29, v3;
	v29 =	vld [tilespmem:s3+$0xFFFFFFE0];
	v31 =	vsel vm5, v31, v9;
	vm5 =	vgt.s32 v35, $0xFFFFFFFF  }
0x180: {  	s8 =	simm.s32 $0x0;
	v33 =	vsel vm7, v33, v9;
	v34 =	vadd.s32 v5, v35;
	[tilespmem:v37+s4+$0x0] =	vst.idx.add.f32.msk $0xffff, v38;
	vm5 =	vmand vm5, vm6  }
.LBB2_23:
0x181: {  	s8 =	sadd.s32 $0x8, s8;
	[tilespmem:v30+s4+$0x0] =	vst.idx.add.f32.msk $0xffff, v28;
	vm3 =	vmand vm3, vm4;
	v28 =	vsel vm5, v34, v9;
	s0 =	sadd.s32 $0x80, s0;
	s3 =	sadd.s32 $0x80, s3  }
0x182: {  	v30 =	vld [tilespmem:s0+$0x10];
	p1 =	slt.u32 s8, $0x278;
	v27 =	vsel vm3, v27, v9  }
0x183: {  	v34 =	vld [tilespmem:s0+$0x20]  }
0x184: {  	v35 =	vld [tilespmem:s0+$0xFFFFFFC0]  }
0x185: {  	v36 =	vld [tilespmem:s0+$0x30]  }
0x186: {  	[tilespmem:v33+s4+$0x0] =	vst.idx.add.f32.msk $0xffff, v25  }
0x187: {  	[tilespmem:v27+s4+$0x0] =	vst.idx.add.f32.msk $0xffff, v32  }
0x188: {  	[tilespmem:v28+s4+$0x0] =	vst.idx.add.f32.msk $0xffff, v26  }
0x189: {  	v25 =	vsub.s32 v35, v0;
	[tilespmem:v31+s4+$0x0] =	vst.idx.add.f32.msk $0xffff, v29  }
0x18a: {  	vm3 =	vgt.s32 v25, $0xFFFFFFFF;
	vm4 =	vlt.s32 v25, v3;
	v26 =	vld [tilespmem:s0+$0xFFFFFFF0]  }
0x18b: {  	v25 =	vadd.s32 v5, v25;
	v28 =	vsub.s32 v36, v0;
	vm3 =	vmand vm3, vm4;
	v27 =	vld [tilespmem:s0+$0xFFFFFFE0]  }
0x18c: {  	v32 =	vsub.s32 v34, v0;
	v29 =	vsel vm3, v25, v9;
	v31 =	vld [tilespmem:s0+$0xFFFFFFD0];
	vm3 =	vgt.s32 v28, $0xFFFFFFFF  }
0x18d: {  	v30 =	vsub.s32 v30, v0;
	vm4 =	vgt.s32 v32, $0xFFFFFFFF;
	vm5 =	vlt.s32 v28, v3;
	v33 =	vld [tilespmem:s3+$0xFFFFFFC0]  }
0x18e: {  	vm6 =	vgt.s32 v30, $0xFFFFFFFF;
	vm7 =	vlt.s32 v30, v3;
	v28 =	vadd.s32 v5, v28;
	v25 =	vld [tilespmem:s3+$0x20]  }
0x18f: {  	v30 =	vadd.s32 v5, v30;
	vm6 =	vmand vm6, vm7;
	vm3 =	vmand vm3, vm5;
	v34 =	vld [tilespmem:s3+$0x10]  }
0x190: {  	v37 =	vsel vm6, v30, v9;
	v38 =	vsel vm3, v28, v9;
	v35 =	vsub.s32 v26, v0;
	v36 =	vld [tilespmem:s0+$0x0]  }
0x191: {  	vm3 =	vlt.s32 v32, v3;
	v26 =	vsub.s32 v31, v0;
	v31 =	vsub.s32 v27, v0;
	v39 =	vld [tilespmem:s3+$0x30]  }
0x192: {  	vm7 =	vmand vm4, vm3;
	[tilespmem:v29+s4+$0x0] =	vst.idx.add.f32.msk $0xffff, v33;
	vm5 =	vgt.s32 v26, $0xFFFFFFFF;
	vm6 =	vlt.s32 v26, v3  }
0x193: {  	v27 =	vadd.s32 v5, v35;
	v29 =	vadd.s32 v5, v26;
	vm3 =	vmand vm5, vm6;
	v26 =	vld [tilespmem:s3+$0x0]  }
.Ltmp15:
0x194: {  	vm4 =	vlt.s32 v31, v3;
	v33 =	vadd.s32 v5, v31;
	v28 =	vld [tilespmem:s3+$0xFFFFFFD0];
	v30 =	vsel vm3, v29, v9;
	(pc) =	sbr.rel @p1 .LBB2_23-.Ltmp15, $4  }
0x195: {  	vm5 =	vgt.s32 v31, $0xFFFFFFFF;
	vm3 =	vgt.s32 v35, $0xFFFFFFFF;
	v36 =	vsub.s32 v36, v0;
	[tilespmem:v37+s4+$0x0] =	vst.idx.add.f32.msk $0xffff, v34  }
0x196: {  	vm5 =	vmand vm5, vm4;
	vm4 =	vlt.s32 v35, v3;
	v35 =	vadd.s32 v5, v32;
	[tilespmem:v38+s4+$0x0] =	vst.idx.add.f32.msk $0xffff, v39  }
0x197: {  	v31 =	vsel vm5, v33, v9;
	vm5 =	vgt.s32 v36, $0xFFFFFFFF;
	vm6 =	vlt.s32 v36, v3;
	v29 =	vld [tilespmem:s3+$0xFFFFFFE0]  }
0x198: {  	v33 =	vsel vm7, v35, v9;
	v34 =	vadd.s32 v5, v36;
	vm5 =	vmand vm5, vm6;
	v32 =	vld [tilespmem:s3+$0xFFFFFFF0]  }
0x199: {  	_ =	sdelay $0x1  }
0x19a: {  	vm3 =	vmand vm3, vm4;
	v34 =	vsel vm5, v34, v9  }
0x19b: {  	v27 =	vsel vm3, v27, v9  }
0x19c: {  	[tilespmem:v30+s4+$0x0] =	vst.idx.add.f32.msk $0xffff, v28  }
0x19d: {  	[tilespmem:v33+s4+$0x0] =	vst.idx.add.f32.msk $0xffff, v25  }
0x19e: {  	[tilespmem:v31+s4+$0x0] =	vst.idx.add.f32.msk $0xffff, v29  }
0x19f: {  	[tilespmem:v34+s4+$0x0] =	vst.idx.add.f32.msk $0xffff, v26  }
0x1a0: {  	[tilespmem:v27+s4+$0x0] =	vst.idx.add.f32.msk $0xffff, v32  }
.LBB2_25:
0x1a1: {  	s0 =	simm.s32 $0x10  }
0x1a2: {  	s3 =	simm.s32 $0x0;
	v25 =	vor.u32 s0, v2  }
0x1a3: {  	v26 =	vor.u32 s3, v2  }
0x1a4: {  	v27 =	vadd.s32 s3, v10  }
0x1a5: {  	v28 =	vadd.s32 s3, v11  }
0x1a6: {  	v29 =	vadd.s32 s3, v12  }
0x1a7: {  	v30 =	vadd.s32 s3, v13;
	v25 =	vld.idx.msk [tilespmem:v25+s4+$0x0], $0xffff  }
0x1a8: {  	v31 =	vadd.s32 s3, v14;
	v26 =	vld.idx.msk [tilespmem:v26+s4+$0x0], $0xffff  }
0x1a9: {  	v32 =	vadd.s32 s3, v15;
	v27 =	vld.idx.msk [tilespmem:v27+s4+$0x0], $0xffff  }
0x1aa: {  	v33 =	vadd.s32 s3, v16;
	v28 =	vld.idx.msk [tilespmem:v28+s4+$0x0], $0xffff  }
0x1ab: {  	v34 =	vadd.s32 s3, v17;
	v29 =	vld.idx.msk [tilespmem:v29+s4+$0x0], $0xffff  }
0x1ac: {  	v35 =	vadd.s32 s3, v18;
	v30 =	vld.idx.msk [tilespmem:v30+s4+$0x0], $0xffff  }
0x1ad: {  	v36 =	vadd.s32 s3, v19;
	v31 =	vld.idx.msk [tilespmem:v31+s4+$0x0], $0xffff  }
0x1ae: {  	v37 =	vadd.s32 s3, v20;
	v32 =	vld.idx.msk [tilespmem:v32+s4+$0x0], $0xffff  }
0x1af: {  	v38 =	vadd.s32 s3, v21;
	v33 =	vld.idx.msk [tilespmem:v33+s4+$0x0], $0xffff  }
0x1b0: {  	v39 =	vadd.s32 s3, v22;
	v34 =	vld.idx.msk [tilespmem:v34+s4+$0x0], $0xffff  }
0x1b1: {  	v40 =	vadd.s32 s3, v23;
	v35 =	vld.idx.msk [tilespmem:v35+s4+$0x0], $0xffff  }
0x1b2: {  	v41 =	vadd.s32 s3, v24;
	v36 =	vld.idx.msk [tilespmem:v36+s4+$0x0], $0xffff  }
0x1b3: {  	v42 =	vadd.s32 s0, v10;
	v37 =	vld.idx.msk [tilespmem:v37+s4+$0x0], $0xffff  }
0x1b4: {  	v43 =	vadd.s32 s0, v11;
	v38 =	vld.idx.msk [tilespmem:v38+s4+$0x0], $0xffff  }
0x1b5: {  	v44 =	vadd.s32 s0, v12;
	v39 =	vld.idx.msk [tilespmem:v39+s4+$0x0], $0xffff  }
0x1b6: {  	v45 =	vadd.s32 s0, v13;
	v40 =	vld.idx.msk [tilespmem:v40+s4+$0x0], $0xffff  }
0x1b7: {  	v46 =	vadd.s32 s0, v14;
	v41 =	vld.idx.msk [tilespmem:v41+s4+$0x0], $0xffff  }
0x1b8: {  	v47 =	vadd.s32 s0, v15;
	v42 =	vld.idx.msk [tilespmem:v42+s4+$0x0], $0xffff  }
0x1b9: {  	v48 =	vadd.s32 s0, v16;
	v43 =	vld.idx.msk [tilespmem:v43+s4+$0x0], $0xffff  }
0x1ba: {  	v49 =	vadd.s32 s0, v17;
	v44 =	vld.idx.msk [tilespmem:v44+s4+$0x0], $0xffff  }
0x1bb: {  	v50 =	vadd.s32 s0, v18;
	v45 =	vld.idx.msk [tilespmem:v45+s4+$0x0], $0xffff  }
0x1bc: {  	v51 =	vadd.s32 s0, v19;
	v46 =	vld.idx.msk [tilespmem:v46+s4+$0x0], $0xffff  }
0x1bd: {  	v52 =	vadd.s32 s0, v20;
	v47 =	vld.idx.msk [tilespmem:v47+s4+$0x0], $0xffff  }
0x1be: {  	v53 =	vadd.s32 s0, v21;
	v48 =	vld.idx.msk [tilespmem:v48+s4+$0x0], $0xffff  }
0x1bf: {  	v54 =	vadd.s32 s0, v22;
	v49 =	vld.idx.msk [tilespmem:v49+s4+$0x0], $0xffff  }
0x1c0: {  	v55 =	vadd.s32 s0, v23;
	v50 =	vld.idx.msk [tilespmem:v50+s4+$0x0], $0xffff  }
0x1c1: {  	s30 =	simm.s32 $0x30;
	v56 =	vadd.s32 s0, v24;
	v51 =	vld.idx.msk [tilespmem:v51+s4+$0x0], $0xffff  }
0x1c2: {  	s31 =	simm.s32 $0x20;
	v57 =	vor.u32 s30, v2;
	v52 =	vld.idx.msk [tilespmem:v52+s4+$0x0], $0xffff  }
0x1c3: {  	v58 =	vor.u32 s31, v2;
	v53 =	vld.idx.msk [tilespmem:v53+s4+$0x0], $0xffff  }
0x1c4: {  	v59 =	vadd.s32 s31, v10;
	v54 =	vld.idx.msk [tilespmem:v54+s4+$0x0], $0xffff  }
0x1c5: {  	v60 =	vadd.s32 s31, v11;
	v55 =	vld.idx.msk [tilespmem:v55+s4+$0x0], $0xffff  }
0x1c6: {  	v61 =	vadd.s32 s31, v12;
	v56 =	vld.idx.msk [tilespmem:v56+s4+$0x0], $0xffff  }
0x1c7: {  	v62 =	vadd.s32 s31, v13;
	v57 =	vld.idx.msk [tilespmem:v57+s4+$0x0], $0xffff  }
0x1c8: {  	v63 =	vadd.s32 s31, v14;
	v58 =	vld.idx.msk [tilespmem:v58+s4+$0x0], $0xffff  }
0x1c9: {  	v4 =	vadd.s32 s31, v15;
	v59 =	vld.idx.msk [tilespmem:v59+s4+$0x0], $0xffff;
	v26 =	vadd.f32 v27, v26  }
0x1ca: {  	v27 =	vadd.f32 v29, v28;
	v28 =	vld.idx.msk [tilespmem:v60+s4+$0x0], $0xffff;
	v29 =	vadd.s32 s31, v16;
	v30 =	vadd.f32 v31, v30  }
0x1cb: {  	v31 =	vadd.f32 v33, v32;
	v32 =	vld.idx.msk [tilespmem:v61+s4+$0x0], $0xffff;
	v33 =	vadd.s32 s31, v17;
	v34 =	vadd.f32 v35, v34  }
0x1cc: {  	v60 =	vadd.f32 v37, v36;
	v36 =	vld.idx.msk [tilespmem:v62+s4+$0x0], $0xffff;
	v61 =	vadd.s32 s31, v18;
	v38 =	vadd.f32 v39, v38  }
0x1cd: {  	v62 =	vadd.f32 v41, v40;
	v40 =	vld.idx.msk [tilespmem:v63+s4+$0x0], $0xffff;
	v63 =	vadd.s32 s31, v19;
	v25 =	vadd.f32 v42, v25  }
0x1ce: {  	v4 =	vld.idx.msk [tilespmem:v4+s4+$0x0], $0xffff;
	v35 =	vadd.s32 s31, v21;
	v42 =	vadd.f32 v46, v45;
	v45 =	vadd.f32 v50, v49  }
0x1cf: {  	v39 =	vadd.s32 s31, v22;
	v26 =	vadd.f32 v27, v26;
	v27 =	vadd.f32 v31, v30;
	v29 =	vld.idx.msk [tilespmem:v29+s4+$0x0], $0xffff  }
0x1d0: {  	v30 =	vadd.s32 s31, v20;
	v31 =	vadd.f32 v60, v34;
	v34 =	vadd.f32 v62, v38;
	v33 =	vld.idx.msk [tilespmem:v33+s4+$0x0], $0xffff  }
0x1d1: {  	v38 =	vadd.f32 v44, v43;
	v43 =	vadd.f32 v48, v47;
	v44 =	vadd.s32 s31, v23;
	v37 =	vld.idx.msk [tilespmem:v61+s4+$0x0], $0xffff  }
0x1d2: {  	v60 =	vadd.f32 v52, v51;
	v48 =	vadd.s32 s30, v10;
	v62 =	vadd.f32 v54, v53;
	v41 =	vld.idx.msk [tilespmem:v63+s4+$0x0], $0xffff  }
0x1d3: {  	v26 =	vadd.f32 v27, v26;
	v27 =	vadd.f32 v34, v31;
	v61 =	vadd.s32 s31, v24;
	v35 =	vld.idx.msk [tilespmem:v35+s4+$0x0], $0xffff  }
0x1d4: {  	v54 =	vadd.s32 s30, v12;
	v25 =	vadd.f32 v38, v25;
	v63 =	vadd.f32 v56, v55;
	v39 =	vld.idx.msk [tilespmem:v39+s4+$0x0], $0xffff  }
0x1d5: {  	v53 =	vadd.f32 v43, v42;
	v47 =	vadd.f32 v27, v26;
	v27 =	vadd.s32 s30, v16;
	v51 =	vld.idx.msk [tilespmem:v30+s4+$0x0], $0xffff  }
0x1d6: {  	v55 =	vadd.f32 v60, v45;
	v30 =	vadd.s32 s30, v11;
	v56 =	vadd.f32 v63, v62;
	v34 =	vld.idx.msk [tilespmem:v44+s4+$0x0], $0xffff  }
0x1d7: {  	v31 =	vadd.s32 s30, v13;
	v46 =	vld.idx.msk [tilespmem:v48+s4+$0x0], $0xffff  }
0x1d8: {  	v25 =	vadd.f32 v53, v25;
	v44 =	vadd.s32 s30, v14;
	v60 =	vadd.f32 v56, v55;
	v61 =	vld.idx.msk [tilespmem:v61+s4+$0x0], $0xffff  }
0x1d9: {  	v36 =	vadd.f32 v40, v36;
	v62 =	vadd.s32 s30, v15;
	v42 =	vld.idx.msk [tilespmem:v54+s4+$0x0], $0xffff  }
0x1da: {  	v49 =	vadd.s32 s30, v17;
	v38 =	vadd.f32 v60, v25;
	v60 =	vadd.f32 v39, v35;
	v35 =	vld.idx.msk [tilespmem:v27+s4+$0x0], $0xffff  }
0x1db: {  	v63 =	vadd.f32 v59, v58;
	v58 =	vadd.s32 s30, v19;
	v4 =	vadd.f32 v29, v4;
	v48 =	vld.idx.msk [tilespmem:v30+s4+$0x0], $0xffff  }
0x1dc: {  	v56 =	vadd.s32 s30, v18;
	v29 =	vadd.f32 v37, v33;
	v30 =	vld.idx.msk [tilespmem:v31+s4+$0x0], $0xffff;
	v59 =	vadd.f32 v51, v41  }
0x1dd: {  	v28 =	vadd.f32 v32, v28;
	v25 =	vadd.s32 s30, v20;
	v31 =	vld.idx.msk [tilespmem:v44+s4+$0x0], $0xffff;
	v34 =	vadd.f32 v61, v34  }
0x1de: {  	v26 =	vadd.s32 s30, v21;
	v32 =	vld.idx.msk [tilespmem:v62+s4+$0x0], $0xffff;
	v4 =	vadd.f32 v4, v36;
	v62 =	vadd.f32 v59, v29  }
0x1df: {  	s0 =	simm.s32 $0xC490;
	v27 =	vadd.s32 s30, v22;
	v36 =	vld.idx.msk [tilespmem:v49+s4+$0x0], $0xffff;
	v61 =	vadd.f32 v28, v63;
	v63 =	vadd.f32 v34, v60  }
0x1e0: {  	v33 =	vadd.f32 v46, v57;
	[tilespmem:s0+$0x0] =	vst v38;
	v38 =	vld.idx.msk [tilespmem:v58+s4+$0x0], $0xffff;
	v29 =	vadd.s32 s30, v23;
	v34 =	vadd.f32 v42, v48  }
0x1e1: {  	s20 =	simm.s32 $0x50;
	s3 =	simm.s32 $0x2;
	[tilespmem:s0+$0xFFFFFFF0] =	vst v47;
	v37 =	vld.idx.msk [tilespmem:v56+s4+$0x0], $0xffff;
	v28 =	vadd.s32 s30, v24;
	v39 =	vadd.f32 v4, v61;
	v40 =	vadd.f32 v63, v62  }
.LBB2_26:
0x1e2: {  	s8 =	sadd.s32 $0xFFFFFFF0, s20;
	v4 =	vor.u32 s20, v2;
	v41 =	vadd.s32 s20, v10;
	v42 =	vadd.s32 s20, v11;
	v43 =	vld.idx.msk [tilespmem:v25+s4+$0x0], $0xffff  }
0x1e3: {  	v45 =	vadd.s32 s20, v12;
	v44 =	vor.u32 s8, v2;
	v25 =	vadd.f32 v40, v39;
	v39 =	vld.idx.msk [tilespmem:v26+s4+$0x0], $0xffff  }
0x1e4: {  	v46 =	vadd.s32 s20, v13;
	v47 =	vadd.s32 s20, v14;
	s0 =	sadd.s32 $0x20, s0;
	v40 =	vadd.s32 s8, v10;
	v48 =	vld.idx.msk [tilespmem:v27+s4+$0x0], $0xffff  }
0x1e5: {  	v50 =	vadd.s32 s20, v15;
	v51 =	vadd.s32 s20, v16;
	v49 =	vadd.s32 s8, v11;
	[tilespmem:s0+$0xFFFFFFF0] =	vst v25;
	v52 =	vld.idx.msk [tilespmem:v29+s4+$0x0], $0xffff  }
0x1e6: {  	v54 =	vadd.s32 s20, v17;
	v55 =	vadd.s32 s20, v18;
	v53 =	vadd.s32 s8, v12;
	v56 =	vld.idx.msk [tilespmem:v28+s4+$0x0], $0xffff  }
0x1e7: {  	v58 =	vadd.s32 s20, v19;
	v57 =	vadd.s32 s8, v13;
	v25 =	vadd.s32 s20, v20;
	v4 =	vld.idx.msk [tilespmem:v4+s4+$0x0], $0xffff  }
0x1e8: {  	v59 =	vadd.s32 s8, v14;
	v26 =	vadd.s32 s20, v21;
	v27 =	vadd.s32 s20, v22;
	v44 =	vld.idx.msk [tilespmem:v44+s4+$0x0], $0xffff  }
0x1e9: {  	v60 =	vadd.s32 s8, v15;
	v29 =	vadd.s32 s20, v23;
	v28 =	vadd.s32 s20, v24;
	v40 =	vld.idx.msk [tilespmem:v40+s4+$0x0], $0xffff  }
0x1ea: {  	v30 =	vadd.f32 v31, v30;
	v61 =	vadd.s32 s8, v16;
	v31 =	vadd.f32 v35, v32;
	v49 =	vld.idx.msk [tilespmem:v49+s4+$0x0], $0xffff  }
0x1eb: {  	v35 =	vadd.s32 s8, v17;
	v36 =	vadd.f32 v37, v36;
	v37 =	vadd.f32 v43, v38;
	v32 =	vld.idx.msk [tilespmem:v53+s4+$0x0], $0xffff  }
0x1ec: {  	v43 =	vadd.s32 s8, v18;
	v39 =	vadd.f32 v48, v39;
	v48 =	vadd.f32 v56, v52;
	v38 =	vld.idx.msk [tilespmem:v57+s4+$0x0], $0xffff  }
0x1ed: {  	v33 =	vadd.f32 v34, v33;
	v30 =	vadd.f32 v31, v30;
	v53 =	vadd.s32 s8, v19;
	v52 =	vld.idx.msk [tilespmem:v59+s4+$0x0], $0xffff  }
0x1ee: {  	v34 =	vadd.s32 s8, v20;
	v36 =	vadd.f32 v37, v36;
	v37 =	vadd.f32 v48, v39;
	v31 =	vld.idx.msk [tilespmem:v60+s4+$0x0], $0xffff  }
0x1ef: {  	v30 =	vadd.f32 v30, v33;
	v48 =	vadd.s32 s8, v21;
	v39 =	vld.idx.msk [tilespmem:v61+s4+$0x0], $0xffff  }
0x1f0: {  	v36 =	vadd.f32 v37, v36;
	v33 =	vld.idx.msk [tilespmem:v35+s4+$0x0], $0xffff;
	v35 =	vadd.s32 s8, v22  }
0x1f1: {  	s3 =	sadd.s32 $0x2, s3;
	v37 =	vld.idx.msk [tilespmem:v43+s4+$0x0], $0xffff;
	v43 =	vadd.s32 s8, v23  }
0x1f2: {  	p1 =	slt.u32 s3, $0xC2;
	v56 =	vadd.s32 s8, v24;
	v30 =	vadd.f32 v36, v30;
	v53 =	vld.idx.msk [tilespmem:v53+s4+$0x0], $0xffff  }
0x1f3: {  	v34 =	vld.idx.msk [tilespmem:v34+s4+$0x0], $0xffff  }
0x1f4: {  	v36 =	vld.idx.msk [tilespmem:v48+s4+$0x0], $0xffff;
	[tilespmem:s0+$0x0] =	vst v30  }
0x1f5: {  	v35 =	vld.idx.msk [tilespmem:v35+s4+$0x0], $0xffff  }
0x1f6: {  	v43 =	vld.idx.msk [tilespmem:v43+s4+$0x0], $0xffff  }
0x1f7: {  	v48 =	vld.idx.msk [tilespmem:v56+s4+$0x0], $0xffff  }
0x1f8: {  	v41 =	vld.idx.msk [tilespmem:v41+s4+$0x0], $0xffff  }
0x1f9: {  	v42 =	vld.idx.msk [tilespmem:v42+s4+$0x0], $0xffff  }
0x1fa: {  	v40 =	vadd.f32 v40, v44;
	v44 =	vadd.f32 v32, v49;
	v45 =	vld.idx.msk [tilespmem:v45+s4+$0x0], $0xffff  }
0x1fb: {  	v38 =	vadd.f32 v52, v38;
	v39 =	vadd.f32 v39, v31;
	v30 =	vld.idx.msk [tilespmem:v46+s4+$0x0], $0xffff  }
0x1fc: {  	v33 =	vadd.f32 v37, v33;
	v34 =	vadd.f32 v34, v53;
	v31 =	vld.idx.msk [tilespmem:v47+s4+$0x0], $0xffff  }
.Ltmp16:
0x1fd: {  	v36 =	vadd.f32 v35, v36;
	v37 =	vadd.f32 v48, v43;
	v32 =	vld.idx.msk [tilespmem:v50+s4+$0x0], $0xffff;
	(pc) =	sbr.rel @p1 .LBB2_26-.Ltmp16, $4  }
0x1fe: {  	v40 =	vadd.f32 v44, v40;
	v38 =	vadd.f32 v39, v38;
	v35 =	vld.idx.msk [tilespmem:v51+s4+$0x0], $0xffff  }
0x1ff: {  	v43 =	vadd.f32 v34, v33;
	v44 =	vadd.f32 v37, v36;
	v36 =	vld.idx.msk [tilespmem:v54+s4+$0x0], $0xffff  }
0x200: {  	v33 =	vadd.f32 v41, v4;
	v34 =	vadd.f32 v45, v42;
	v37 =	vld.idx.msk [tilespmem:v55+s4+$0x0], $0xffff  }
0x201: {  	s20 =	sadd.s32 $0x20, s20;
	v39 =	vadd.f32 v38, v40;
	v40 =	vadd.f32 v44, v43;
	v38 =	vld.idx.msk [tilespmem:v58+s4+$0x0], $0xffff  }
0x202: {  	_ =	sdelay $0x3  }
0x203: {  	v4 =	vld.idx.msk [tilespmem:v25+s4+$0x0], $0xffff  }
0x204: {  	v25 =	vld.idx.msk [tilespmem:v26+s4+$0x0], $0xffff  }
0x205: {  	v26 =	vld.idx.msk [tilespmem:v27+s4+$0x0], $0xffff  }
0x206: {  	v27 =	vld.idx.msk [tilespmem:v29+s4+$0x0], $0xffff  }
0x207: {  	v28 =	vld.idx.msk [tilespmem:v28+s4+$0x0], $0xffff;
	_ =	sdelay $0x2  }
0x208: {  	v60 =	vadd.f32 v31, v30;
	v61 =	vadd.f32 v35, v32  }
0x209: {  	v62 =	vadd.f32 v37, v36;
	v4 =	vadd.f32 v4, v38  }
0x20a: {  	v25 =	vadd.f32 v26, v25;
	v26 =	vadd.f32 v28, v27  }
0x20b: {  	v63 =	vadd.f32 v61, v60;
	v27 =	vadd.f32 v34, v33  }
0x20c: {  	v4 =	vadd.f32 v4, v62;
	v25 =	vadd.f32 v26, v25;
	_ =	sdelay $0x1  }
0x20d: {  	v26 =	vadd.f32 v63, v27;
	v4 =	vadd.f32 v25, v4  }
0x20e: {  	v25 =	vadd.f32 v40, v39  }
0x20f: {  	s0 =	sadd.s32 $0x20, s0;
	v4 =	vadd.f32 v4, v26  }
0x210: {  	[tilespmem:s0+$0xFFFFFFF0] =	vst v25  }
0x211: {  	s3 =	simm.s32 @p0 $0xC480;
	[tilespmem:s0+$0x0] =	vst v4;
	s0 =	simm.s32 @p0 $0x0  }
0x212: {  	[hbm4b:s11+s0] =	stream.linear.scatter @p0 [tilespmem:s3], [sflag:$0x5], $0xBD8, $0x38;
	[tilespmem:$0x1D200] =	vst v63  }
0x213: {  	s0 =	simm.s32 @p0 $0x5  }
0x214: {  	s24 =	sadd.s32 $0x1, s24;
	_ =	swait.ge @p0 [sflag:s0], $0xBD8  }
0x215: {  	p1 =	sne.s32 s24, s12;
	[sflag:s0] =	ssyncset.done @p0 $0x0  }
0x216: {  	s3 =	simm.s32 @!p0 $0xC480;
	[sflag:s0] =	ssyncadd.s32 @p0 $0xFFFFF428;
	s0 =	simm.s32 @!p0 $0x0  }
0x217: {  	[hbm4b:s10+s0] =	stream.linear.scatter @!p0 [tilespmem:s3], [sflag:$0x5], $0xC38, $0x38;
	[tilespmem:$0x1D200] =	vst v63  }
.Ltmp17:
0x218: {  	_ = 	snop;
	(pc) =	sbr.rel @p1 .LBB2_1-.Ltmp17, $4  }
0x219: {  	s0 =	simm.s32 @!p0 $0x5  }
0x21a: {  	_ =	swait.ge @!p0 [sflag:s0], $0xC38  }
0x21b: {  	[sflag:s0] =	ssyncset.done @!p0 $0x0  }
0x21c: {  	[sflag:s0] =	ssyncadd.s32 @!p0 $0xFFFFF3C8  }
0x21d: {  	_ =	sfence.sel $0x180000  }
0x21e: {  	[bflag:$0x0] =	sbarrier.arrive $0xFFFF  }
0x21f: {  	_ =	strace $0x90000047  }
0x220: {  	s0 =	stileid.u32;
	[bflag:$0x2] =	sbarrier.arrive $0xFFFF  }
0x221: {  	p0 =	sne.s32 s0, $0x0;
	s0 =	rddreg [dreg:$0x3]  }
0x222: {  	s0 =	sadd.s32 @!p0 $0x100000, s0  }
0x223: {  	[sflag:s0] =	ssyncadd.tile.s32 @!p0 $0x1;
	_ =	shalt  }
.Lfunc_end2:
_tile_overlayer_lowered:
.L_overlay_start_2:
0x224: {  	(tag) =	ssettag $0x2  }
0x225: {  	s0 =	rddreg [dreg:$0x0];
	s2 =	stileid.u32  }
0x226: {  	s1 =	rddreg [dreg:$0x1];
	p0 =	sne.s32 s2, $0x0  }
0x227: {  	s3 =	rddreg [dreg:$0x2];
	[bflag:$0x3] =	sbarrier.arrive $0xFFFF;
	s2 =	simm.s32 @!p0 $0x1C05  }
0x228: {  	[timem:s3], [sflag:s2] =	dma.local @!p0 [hbm:s0], s1  }
0x229: {  	s0 =	simm.s32 @!p0 $0x5  }
0x22a: {  	_ =	swait.ge @!p0 [sflag:s0], s1  }
0x22b: {  	s1 =	ssub.s32 @!p0 $0x0, s1;
	[sflag:s0] =	ssyncset.done @!p0 $0x0  }
0x22c: {  	[sflag:s0] =	ssyncadd.s32 @!p0 s1  }
0x22d: {  	[bflag:$0x3] =	sbarrier.arrive $0xFFFF  }
0x22e: {  	_ =	shalt  }

</sc_bundles>
